<compile_context>
chip_gen: v7x
topology: tpu7x:2x2x1
jax: 0.10.2.dev20260603
libtpu: 0.0.44.dev20260713+nightly
codegen_flags: <defaults>
</compile_context>

<pallas_src>
import jax
import jax.numpy as jnp
import numpy as np
from jax import lax
from jax.experimental import pallas as pl
from jax.experimental.pallas import tpu as pltpu
from jax.experimental.pallas import tpu_sc as plsc

NW = 32
CAP = 128
E = NW * CAP
N_NODES = 10000
N_EDGES = 160000
CHUNK = 5000
TBL = 10248
H = 128
NH = 4
HD = H // NH


def _sc_body(ei_hbm, ts_hbm, tgt_hbm, nf_hbm, zeros_hbm,
             tgtid_out, nbr_out, ts_out, g_out, t_out,
             tbl, e0c, e1c, tsc, tgtv, tgtbuf, nbrbuf, tsbuf, rows, trows,
             sem, sem2):
    wid = lax.axis_index("s") * 2 + lax.axis_index("c")
    base = wid * CHUNK
    c0 = pltpu.async_copy(ei_hbm.at[pl.ds(base, CHUNK)],
                          e0c.at[pl.ds(0, CHUNK)], sem)
    c1 = pltpu.async_copy(ei_hbm.at[pl.ds(N_EDGES + base, CHUNK)],
                          e1c.at[pl.ds(0, CHUNK)], sem)
    c2 = pltpu.async_copy(ts_hbm.at[pl.ds(base, CHUNK)],
                          tsc.at[pl.ds(0, CHUNK)], sem)
    c3 = pltpu.async_copy(tgt_hbm, tgtv, sem)
    c4 = pltpu.async_copy(zeros_hbm, tbl, sem2)

    zeros_f = jnp.zeros((16,), jnp.float32)
    neg_i = jnp.full((16,), -1, jnp.int32)
    ones_i = jnp.ones((16,), jnp.int32)
    lane = lax.iota(jnp.int32, 16)

    for j in range(CAP // 16):
        tgtbuf[pl.ds(j * 16, 16)] = neg_i
        nbrbuf[pl.ds(j * 16, 16)] = lane * 16 + j
        tsbuf[pl.ds(j * 16, 16)] = zeros_f

    c0.wait()
    c1.wait()
    c2.wait()
    c3.wait()
    c4.wait()

    for j in range(64 // 16):
        idx = tgtv[pl.ds(j * 16, 16)]
        plsc.store_scatter(tbl, [idx], ones_i)

    def append16(e0, e1, tv, c):
        f0 = plsc.load_gather(tbl, [e0])
        f1 = plsc.load_gather(tbl, [e1])
        m0 = f0 > 0
        m1 = (f1 > 0) & (e0 != e1)
        b0 = jnp.minimum(c, CAP - 16)
        plsc.store_compressed(tgtbuf.at[pl.ds(b0, 16)], e0, mask=m0)
        plsc.store_compressed(nbrbuf.at[pl.ds(b0, 16)], e1, mask=m0)
        plsc.store_compressed(tsbuf.at[pl.ds(b0, 16)], tv, mask=m0)
        c = c + plsc.all_reduce_population_count(m0)[0]
        b1 = jnp.minimum(c, CAP - 16)
        plsc.store_compressed(tgtbuf.at[pl.ds(b1, 16)], e1, mask=m1)
        plsc.store_compressed(nbrbuf.at[pl.ds(b1, 16)], e0, mask=m1)
        plsc.store_compressed(tsbuf.at[pl.ds(b1, 16)], tv, mask=m1)
        return c + plsc.all_reduce_population_count(m1)[0]

    def body(i, cnt):
        e0 = e0c[pl.ds(i * 16, 16)]
        e1 = e1c[pl.ds(i * 16, 16)]
        tv = tsc[pl.ds(i * 16, 16)]
        return append16(e0, e1, tv, cnt)

    cnt = lax.fori_loop(0, CHUNK // 16, body, jnp.int32(0))

    tail_ok = lane < (CHUNK % 16)
    e0t = jnp.where(tail_ok, e0c[pl.ds(CHUNK - 8, 16)], N_NODES)
    e1t = jnp.where(tail_ok, e1c[pl.ds(CHUNK - 8, 16)], N_NODES)
    tvt = jnp.where(tail_ok, tsc[pl.ds(CHUNK - 8, 16)], 0.0)
    append16(e0t, e1t, tvt, cnt)

    gat = pltpu.async_copy(nf_hbm.at[nbrbuf], rows, sem)
    o0 = pltpu.async_copy(tgtbuf, tgtid_out.at[pl.ds(wid * CAP, CAP)], sem2)
    o1 = pltpu.async_copy(nbrbuf, nbr_out.at[pl.ds(wid * CAP, CAP)], sem2)
    o2 = pltpu.async_copy(tsbuf, ts_out.at[pl.ds(wid * CAP, CAP)], sem2)
    gat.wait()
    pltpu.sync_copy(rows, g_out.at[pl.ds(wid * CAP, CAP)])
    o0.wait()
    o1.wait()
    o2.wait()

    @pl.when(wid == 0)
    def _():
        pltpu.async_copy(nf_hbm.at[tgtv], trows, sem).wait()
        pltpu.sync_copy(trows, t_out)


def _sc_compact(ei, ts, tgt_ids, node_features, interpret=False):
    f32, i32 = jnp.float32, jnp.int32
    return pl.kernel(
        _sc_body,
        out_type=[
            jax.ShapeDtypeStruct((E,), i32),
            jax.ShapeDtypeStruct((E,), i32),
            jax.ShapeDtypeStruct((E,), f32),
            jax.ShapeDtypeStruct((E, H), f32),
            jax.ShapeDtypeStruct((64, H), f32),
        ],
        mesh=plsc.VectorSubcoreMesh(core_axis_name="c", subcore_axis_name="s"),
        scratch_types=[
            pltpu.VMEM((TBL,), i32),
            pltpu.VMEM((CHUNK + 8,), i32),
            pltpu.VMEM((CHUNK + 8,), i32),
            pltpu.VMEM((CHUNK + 8,), f32),
            pltpu.VMEM((64,), i32),
            pltpu.VMEM((CAP,), i32),
            pltpu.VMEM((CAP,), i32),
            pltpu.VMEM((CAP,), f32),
            pltpu.VMEM((CAP, H), f32),
            pltpu.VMEM((64, H), f32),
            pltpu.SemaphoreType.DMA,
            pltpu.SemaphoreType.DMA,
        ],
        compiler_params=pltpu.CompilerParams(needs_layout_passes=False,
                                             skip_device_barrier=True),
        interpret=interpret,
    )(ei, ts, tgt_ids, node_features, jnp.zeros((TBL,), jnp.int32))


def _tc_body(*refs):
    (g_ref, t_ref, tgtid_ref, nbr_ref, ts_ref, tgtrow_ref,
     w_in_ref, b_in_ref) = refs[:8]
    layer_refs = refs[8:8 + 24]
    (w1_ref, b1_ref, w2_ref, b2_ref, wp1_ref, bp1_ref, wp2_ref, bp2_ref,
     wp3_ref, bp3_ref, out_ref) = refs[8 + 24:]

    f32 = jnp.float32

    def mmt(a, b):
        return lax.dot_general(a, b, (((1,), (1,)), ((), ())),
                               preferred_element_type=f32)

    def mm(a, b):
        return jnp.dot(a, b, preferred_element_type=f32)

    def lin(x, w_ref, b_ref):
        return mmt(x, w_ref[...]) + b_ref[...][None, :]

    tgtid = tgtid_ref[...]
    nbr = nbr_ref[...]
    ts = ts_ref[...]
    tgtrow = tgtrow_ref[...]
    onehot = (tgtid == tgtrow).astype(f32)
    nbrhot = ((nbr == tgtrow) & (tgtid >= 0)).astype(f32)
    validf = (tgtid >= 0).astype(f32)

    r = lax.broadcasted_iota(jnp.int32, (H, NH), 0)
    c = lax.broadcasted_iota(jnp.int32, (H, NH), 1)
    hm = (r // HD == c).astype(f32)
    rt = lax.broadcasted_iota(jnp.int32, (NH, H), 0)
    ct = lax.broadcasted_iota(jnp.int32, (NH, H), 1)
    hmt = (ct // HD == rt).astype(f32)

    x_g = lin(g_ref[...], w_in_ref, b_in_ref)
    x_t = lin(t_ref[...], w_in_ref, b_in_ref)

    rowsum = jnp.maximum(jnp.sum(onehot, axis=1, keepdims=True), 1.0)
    nrs = jnp.sum(nbrhot, axis=1, keepdims=True)
    nrs_c = jnp.maximum(nrs, 1.0)
    inv_sqrt_hd = f32(1.0 / np.sqrt(HD))

    for l in range(2):
        (wf, bf, wt1, bt1, wt2, bt2, in_w, in_b, wout, bout,
         wo, bo) = layer_refs[l * 12:(l + 1) * 12]
        tf_g = lin(x_g, wf, bf)
        tf_t = lin(x_t, wf, bf)
        t1 = jnp.maximum(mmt(ts, wt1[...]) + bt1[...][None, :], 0.0)
        tfeat = lin(t1, wt2, bt2)
        nf = tf_g + tfeat
        in_w_all = in_w[...]
        in_b_all = in_b[...]
        q = mmt(tf_t, in_w_all[:H]) + in_b_all[:H][None, :]
        k = mmt(nf, in_w_all[H:2 * H]) + in_b_all[H:2 * H][None, :]
        v = mmt(nf, in_w_all[2 * H:]) + in_b_all[2 * H:][None, :]
        qrow = mm(onehot, q) / rowsum
        s = mm(qrow * k, hm) * inv_sqrt_hd
        w = jnp.exp(s) * validf
        den = lax.dot_general(onehot, w, (((0,), (0,)), ((), ())),
                              preferred_element_type=f32)
        wv = mm(w, hmt) * v
        num = lax.dot_general(onehot, wv, (((0,), (0,)), ((), ())),
                              preferred_element_type=f32)
        den_rep = mm(den, hmt)
        att = num / jnp.where(den_rep > 0, den_rep, 1.0)
        o = lin(att, wout, bout)
        hasedge = den_rep[:, 0:1] > 0
        agg = jnp.where(hasedge, o, tf_t)
        x_t = jnp.maximum(lin(agg, wo, bo), 0.0)
        sub = mm(nbrhot, x_t) / nrs_c
        x_g = jnp.where(nrs > 0, sub, jnp.maximum(x_g, 0.0))

    emb = lin(jnp.maximum(lin(x_t, w1_ref, b1_ref), 0.0), w2_ref, b2_ref)
    re = lax.broadcasted_iota(jnp.int32, (32, 64), 0)
    ce = lax.broadcasted_iota(jnp.int32, (32, 64), 1)
    sel_e = (ce == 2 * re).astype(f32)
    sel_o = (ce == 2 * re + 1).astype(f32)
    pair = jnp.concatenate([mm(sel_e, emb), mm(sel_o, emb)], axis=1)
    h1 = jnp.maximum(lin(pair, wp1_ref, bp1_ref), 0.0)
    h2 = jnp.maximum(lin(h1, wp2_ref, bp2_ref), 0.0)
    sc = mm(h2, wp3_ref[...]) + bp3_ref[...]
    out_ref[...] = 1.0 / (1.0 + jnp.exp(-sc))


def _tc_dense(args, interpret=False):
    return pl.pallas_call(
        _tc_body,
        out_shape=jax.ShapeDtypeStruct((32, 1), jnp.float32),
        compiler_params=pltpu.CompilerParams(skip_device_barrier=True),
        interpret=interpret,
    )(*args)


def kernel(node_features, edge_index, edge_timestamps, target_pairs, params):
    i32 = jnp.int32
    tgt_ids = target_pairs.reshape(-1).astype(i32)

    tgtid, nbrid, tsg, g_rows, t_rows = _sc_compact(
        edge_index.reshape(-1), edge_timestamps, tgt_ids, node_features)

    p = params
    args = [g_rows, t_rows,
            tgtid.reshape(E, 1), nbrid.reshape(E, 1), tsg.reshape(E, 1),
            tgt_ids.reshape(1, 64),
            p['W_in'], p['b_in']]
    for lp in p['layers']:
        args += [lp['Wf'], lp['bf'], lp['Wt1'], lp['bt1'], lp['Wt2'],
                 lp['bt2'], lp['in_w'], lp['in_b'], lp['out_w'], lp['out_b'],
                 lp['Wo'], lp['bo']]
    args += [p['W1'], p['b1'], p['W2'], p['b2'],
             p['Wp1'], p['bp1'], p['Wp2'], p['bp2'], p['Wp3'].T,
             p['bp3'].reshape(1, 1)]
    return _tc_dense(args)

# --- scband reference (transcript-rebuilt; emitter-appended) ---
"""Pipeline reference for scband-tdgnnmodel-32547262169237 (READ-ONLY COPY).

The authoritative reference and input builder live on the scoring server;
editing this copy changes nothing except your own understanding.
"""

import jax, jax.numpy as jnp
import numpy as np

NH = 4

def _linear(x, W, b):
    return x @ W.T + b

def _mha(query, key, in_w, in_b, out_w, out_b, nh, mask=None):
    h = query.shape[-1]
    Wq, Wk, Wv = in_w[:h], in_w[h:2*h], in_w[2*h:]
    bq, bk, bv = in_b[:h], in_b[h:2*h], in_b[2*h:]
    q = query @ Wq.T + bq
    k = key @ Wk.T + bk
    v = key @ Wv.T + bv
    hd = h // nh
    q = q.reshape(-1, nh, hd).transpose(1, 0, 2)
    k = k.reshape(-1, nh, hd).transpose(1, 0, 2)
    v = v.reshape(-1, nh, hd).transpose(1, 0, 2)
    scores = jnp.einsum('hqd,hkd->hqk', q, k) / np.sqrt(hd)
    if mask is not None:
        scores = jnp.where(mask[None, None, :], scores, -jnp.inf)
    attn = jax.nn.softmax(scores, axis=-1)
    o = jnp.einsum('hqk,hkd->hqd', attn, v)
    o = o.transpose(1, 0, 2).reshape(-1, h)
    return o @ out_w.T + out_b

def _temporal_agg(p, x, ei0, ei1, edge_timestamps, target_nodes, nh):
    tf = _linear(x, p['Wf'], p['bf'])
    t1 = jax.nn.relu(_linear(edge_timestamps[:, None], p['Wt1'], p['bt1']))
    tfeat = _linear(t1, p['Wt2'], p['bt2'])
    def per_node(tn):
        mask = (ei0 == tn) | (ei1 == tn)
        nbr = jnp.where(ei0 == tn, ei1, ei0)
        nf = tf[nbr] + tfeat
        tgt = tf[tn][None, :]
        att = _mha(tgt, nf, p['in_w'], p['in_b'], p['out_w'], p['out_b'], nh,
                   mask=mask)
        return jnp.where(jnp.any(mask), att[0], tf[tn])
    agg = jax.lax.map(per_node, target_nodes)
    return _linear(agg, p['Wo'], p['bo'])

def _forward(node_features, edge_timestamps, params, ei0, ei1, target_pairs, unique_nodes):
    x = _linear(node_features, params['W_in'], params['b_in'])
    for p in params['layers']:
        agg = _temporal_agg(p, x, ei0, ei1, edge_timestamps, unique_nodes, NH)
        x = x.at[unique_nodes].set(agg)
        x = jax.nn.relu(x)
    emb = _linear(jax.nn.relu(_linear(x, params['W1'], params['b1'])), params['W2'], params['b2'])
    src = emb[target_pairs[:, 0]]
    tgt = emb[target_pairs[:, 1]]
    pair = jnp.concatenate([src, tgt], axis=1)
    h1 = jax.nn.relu(_linear(pair, params['Wp1'], params['bp1']))
    h2 = jax.nn.relu(_linear(h1, params['Wp2'], params['bp2']))
    scores = _linear(h2, params['Wp3'], params['bp3'])
    return jax.nn.sigmoid(scores)

def setup_inputs(seed: int = 0):
    key = jax.random.key(seed)
    n_nodes, n_edges, d, h, out_dim, batch = 10000, 160000, 128, 128, 64, 32
    def nk(i):
        return jax.random.fold_in(key, i)
    node_features = jax.random.normal(nk(0), (n_nodes, d), jnp.float32)
    edge_index = jax.random.randint(nk(1), (2, n_edges), 0, n_nodes, dtype=jnp.int32)
    edge_timestamps = jax.random.uniform(nk(2), (n_edges,), jnp.float32)
    target_pairs = jax.random.randint(nk(3), (batch, 2), 0, n_nodes, dtype=jnp.int32)
    s = 0.05
    layers = []
    for i in range(2):
        b = 100 + i * 20
        layers.append({
            'Wt1': jax.random.normal(nk(b), (h, 1), jnp.float32) * s,
            'bt1': jnp.zeros((h,), jnp.float32),
            'Wt2': jax.random.normal(nk(b + 1), (h, h), jnp.float32) * s,
            'bt2': jnp.zeros((h,), jnp.float32),
            'in_w': jax.random.normal(nk(b + 2), (3 * h, h), jnp.float32) * s,
            'in_b': jnp.zeros((3 * h,), jnp.float32),
            'out_w': jax.random.normal(nk(b + 3), (h, h), jnp.float32) * s,
            'out_b': jnp.zeros((h,), jnp.float32),
            'Wf': jax.random.normal(nk(b + 4), (h, h), jnp.float32) * s,
            'bf': jnp.zeros((h,), jnp.float32),
            'Wo': jax.random.normal(nk(b + 5), (h, h), jnp.float32) * s,
            'bo': jnp.zeros((h,), jnp.float32),
        })
    params = {
        'layers': layers,
        'W_in': jax.random.normal(nk(10), (h, d), jnp.float32) * s,
        'b_in': jnp.zeros((h,), jnp.float32),
        'W1': jax.random.normal(nk(11), (h, h), jnp.float32) * s,
        'b1': jnp.zeros((h,), jnp.float32),
        'W2': jax.random.normal(nk(12), (out_dim, h), jnp.float32) * s,
        'b2': jnp.zeros((out_dim,), jnp.float32),
        'Wp1': jax.random.normal(nk(13), (h, 2 * out_dim), jnp.float32) * s,
        'bp1': jnp.zeros((h,), jnp.float32),
        'Wp2': jax.random.normal(nk(14), (h // 2, h), jnp.float32) * s,
        'bp2': jnp.zeros((h // 2,), jnp.float32),
        'Wp3': jax.random.normal(nk(15), (1, h // 2), jnp.float32) * s,
        'bp3': jnp.zeros((1,), jnp.float32),
    }
    return {'node_features': node_features, 'edge_index': edge_index,
            'edge_timestamps': edge_timestamps, 'target_pairs': target_pairs,
            'params': params}

def reference(node_features, edge_index, edge_timestamps, target_pairs, params):
    ei0 = edge_index[0]
    ei1 = edge_index[1]
    target_nodes = target_pairs.reshape(-1)
    return _forward(node_features, edge_timestamps, params, ei0, ei1, target_pairs, target_nodes)

if __name__ == "__main__":
    import jax
    _d = setup_inputs()
    print(jax.jit(kernel)(*tuple(_d.values())))

</pallas_src>

<mosaic_0001>
#map = affine_map<(d0, d1) -> (0)>
#map1 = affine_map<(d0, d1) -> (0, 0)>
module attributes {stable_mosaic.version = 14 : i64} {
  func.func @_sc_body(%arg0: i32, %arg1: i32, %arg2: memref<320000xi32, #tpu.memory_space<hbm>>, %arg3: memref<160000xf32, #tpu.memory_space<hbm>>, %arg4: memref<64xi32, #tpu.memory_space<hbm>>, %arg5: memref<10000x128xf32, #tpu.memory_space<hbm>>, %arg6: memref<10248xi32, #tpu.memory_space<hbm>>, %arg7: memref<4096xi32, #tpu.memory_space<hbm>>, %arg8: memref<4096xi32, #tpu.memory_space<hbm>>, %arg9: memref<4096xf32, #tpu.memory_space<hbm>>, %arg10: memref<4096x128xf32, #tpu.memory_space<hbm>>, %arg11: memref<64x128xf32, #tpu.memory_space<hbm>>, %arg12: memref<10248xi32, #tpu.memory_space<vmem>>, %arg13: memref<5008xi32, #tpu.memory_space<vmem>>, %arg14: memref<5008xi32, #tpu.memory_space<vmem>>, %arg15: memref<5008xf32, #tpu.memory_space<vmem>>, %arg16: memref<64xi32, #tpu.memory_space<vmem>>, %arg17: memref<128xi32, #tpu.memory_space<vmem>>, %arg18: memref<128xi32, #tpu.memory_space<vmem>>, %arg19: memref<128xf32, #tpu.memory_space<vmem>>, %arg20: memref<128x128xf32, #tpu.memory_space<vmem>>, %arg21: memref<64x128xf32, #tpu.memory_space<vmem>>, %arg22: memref<!tpu.dma_semaphore, #tpu.memory_space<semaphore_mem>>, %arg23: memref<!tpu.dma_semaphore, #tpu.memory_space<semaphore_mem>>) attributes {dimension_semantics = [#tpu.dimension_semantics<core_parallel>, #tpu.dimension_semantics<subcore_parallel>], iteration_bounds = array<i64: 2, 16>, scalar_prefetch = 0 : i64, scratch_operands = 12 : i64, tpu.core_type = #tpu.core_type<sc_vector_subcore>, window_params = [{transform_indices = #map}, {transform_indices = #map}, {transform_indices = #map}, {transform_indices = #map1}, {transform_indices = #map}, {transform_indices = #map}, {transform_indices = #map}, {transform_indices = #map}, {transform_indices = #map1}, {transform_indices = #map1}]} {
    %mul3A = arith.constant 2 : i32
    %mul3A_0 = arith.muli %arg1, %mul3A : i32
    %add3A = arith.addi %mul3A_0, %arg0 : i32
    %mul3A_1 = arith.constant 5000 : i32
    %mul3A_2 = arith.muli %add3A, %mul3A_1 : i32
    %dma_start3A = arith.constant 0 : i32
    %dma_start3A_3 = tpu.memref_slice %arg13[%dma_start3A] : memref<5008xi32, #tpu.memory_space<vmem>> -> memref<5000xi32, #tpu.memory_space<vmem>>
    %dma_start3A_4 = tpu.memref_slice %arg2[%mul3A_2] : memref<320000xi32, #tpu.memory_space<hbm>> -> memref<5000xi32, #tpu.memory_space<hbm>>
    %dma_start3A_5 = arith.constant 0 : i32
    %dma_start3A_6 = tpu.memref_slice %arg13[%dma_start3A_5] : memref<5008xi32, #tpu.memory_space<vmem>> -> memref<5000xi32, #tpu.memory_space<vmem>>
    %dma_start3A_7 = tpu.memref_slice %arg2[%mul3A_2] : memref<320000xi32, #tpu.memory_space<hbm>> -> memref<5000xi32, #tpu.memory_space<hbm>>
    tpu.enqueue_dma source(%dma_start3A_7 : memref<5000xi32, #tpu.memory_space<hbm>>) target(%dma_start3A_6 : memref<5000xi32, #tpu.memory_space<vmem>>) target_semaphore(%arg22 : memref<!tpu.dma_semaphore, #tpu.memory_space<semaphore_mem>>)
    %add3A_8 = arith.constant 160000 : i32
    %add3A_9 = arith.addi %add3A_8, %mul3A_2 : i32
    %dma_start3A_10 = arith.constant 0 : i32
    %dma_start3A_11 = tpu.memref_slice %arg14[%dma_start3A_10] : memref<5008xi32, #tpu.memory_space<vmem>> -> memref<5000xi32, #tpu.memory_space<vmem>>
    %dma_start3A_12 = tpu.memref_slice %arg2[%add3A_9] : memref<320000xi32, #tpu.memory_space<hbm>> -> memref<5000xi32, #tpu.memory_space<hbm>>
    %dma_start3A_13 = arith.constant 0 : i32
    %dma_start3A_14 = tpu.memref_slice %arg14[%dma_start3A_13] : memref<5008xi32, #tpu.memory_space<vmem>> -> memref<5000xi32, #tpu.memory_space<vmem>>
    %dma_start3A_15 = tpu.memref_slice %arg2[%add3A_9] : memref<320000xi32, #tpu.memory_space<hbm>> -> memref<5000xi32, #tpu.memory_space<hbm>>
    tpu.enqueue_dma source(%dma_start3A_15 : memref<5000xi32, #tpu.memory_space<hbm>>) target(%dma_start3A_14 : memref<5000xi32, #tpu.memory_space<vmem>>) target_semaphore(%arg22 : memref<!tpu.dma_semaphore, #tpu.memory_space<semaphore_mem>>)
    %dma_start3A_16 = arith.constant 0 : i32
    %dma_start3A_17 = tpu.memref_slice %arg15[%dma_start3A_16] : memref<5008xf32, #tpu.memory_space<vmem>> -> memref<5000xf32, #tpu.memory_space<vmem>>
    %dma_start3A_18 = tpu.memref_slice %arg3[%mul3A_2] : memref<160000xf32, #tpu.memory_space<hbm>> -> memref<5000xf32, #tpu.memory_space<hbm>>
    %dma_start3A_19 = arith.constant 0 : i32
    %dma_start3A_20 = tpu.memref_slice %arg15[%dma_start3A_19] : memref<5008xf32, #tpu.memory_space<vmem>> -> memref<5000xf32, #tpu.memory_space<vmem>>
    %dma_start3A_21 = tpu.memref_slice %arg3[%mul3A_2] : memref<160000xf32, #tpu.memory_space<hbm>> -> memref<5000xf32, #tpu.memory_space<hbm>>
    tpu.enqueue_dma source(%dma_start3A_21 : memref<5000xf32, #tpu.memory_space<hbm>>) target(%dma_start3A_20 : memref<5000xf32, #tpu.memory_space<vmem>>) target_semaphore(%arg22 : memref<!tpu.dma_semaphore, #tpu.memory_space<semaphore_mem>>)
    tpu.enqueue_dma source(%arg4 : memref<64xi32, #tpu.memory_space<hbm>>) target(%arg16 : memref<64xi32, #tpu.memory_space<vmem>>) target_semaphore(%arg22 : memref<!tpu.dma_semaphore, #tpu.memory_space<semaphore_mem>>)
    tpu.enqueue_dma source(%arg6 : memref<10248xi32, #tpu.memory_space<hbm>>) target(%arg12 : memref<10248xi32, #tpu.memory_space<vmem>>) target_semaphore(%arg23 : memref<!tpu.dma_semaphore, #tpu.memory_space<semaphore_mem>>)
    %broadcast_in_dim3A = arith.constant 0.000000e+00 : f32
    %broadcast_in_dim3A_22 = vector.broadcast %broadcast_in_dim3A : f32 to vector<16xf32>
    %broadcast_in_dim3A_23 = arith.constant -1 : i32
    %broadcast_in_dim3A_24 = vector.broadcast %broadcast_in_dim3A_23 : i32 to vector<16xi32>
    %broadcast_in_dim3A_25 = arith.constant 1 : i32
    %broadcast_in_dim3A_26 = vector.broadcast %broadcast_in_dim3A_25 : i32 to vector<16xi32>
    %iota3A = tpu.iota {dimensions = array<i32: 0>} : vector<16xi32>
    %swap3A = arith.constant 0 : index
    %swap3A_27 = tpu.vector_load %arg17[%swap3A] {strides = array<i32>} : memref<128xi32, #tpu.memory_space<vmem>>, vector<16xi32>,
    tpu.vector_store %arg17[%swap3A], %broadcast_in_dim3A_24 {strides = array<i32>} : memref<128xi32, #tpu.memory_space<vmem>>, vector<16xi32>,
    %mul3A_28 = arith.constant 16 : i32
    %mul3A_29 = vector.broadcast %mul3A_28 : i32 to vector<16xi32>
    %mul3A_30 = arith.muli %iota3A, %mul3A_29 : vector<16xi32>
    %add3A_31 = arith.constant 0 : i32
    %add3A_32 = vector.broadcast %add3A_31 : i32 to vector<16xi32>
    %add3A_33 = arith.addi %mul3A_30, %add3A_32 : vector<16xi32>
    %swap3A_34 = arith.constant 0 : index
    %swap3A_35 = tpu.vector_load %arg18[%swap3A_34] {strides = array<i32>} : memref<128xi32, #tpu.memory_space<vmem>>, vector<16xi32>,
    tpu.vector_store %arg18[%swap3A_34], %add3A_33 {strides = array<i32>} : memref<128xi32, #tpu.memory_space<vmem>>, vector<16xi32>,
    %swap3A_36 = arith.constant 0 : index
    %swap3A_37 = tpu.vector_load %arg19[%swap3A_36] {strides = array<i32>} : memref<128xf32, #tpu.memory_space<vmem>>, vector<16xf32>,
    tpu.vector_store %arg19[%swap3A_36], %broadcast_in_dim3A_22 {strides = array<i32>} : memref<128xf32, #tpu.memory_space<vmem>>, vector<16xf32>,
    %swap3A_38 = arith.constant 16 : index
    %swap3A_39 = tpu.vector_load %arg17[%swap3A_38] {strides = array<i32>} : memref<128xi32, #tpu.memory_space<vmem>>, vector<16xi32>,
    tpu.vector_store %arg17[%swap3A_38], %broadcast_in_dim3A_24 {strides = array<i32>} : memref<128xi32, #tpu.memory_space<vmem>>, vector<16xi32>,
    %mul3A_40 = arith.constant 16 : i32
    %mul3A_41 = vector.broadcast %mul3A_40 : i32 to vector<16xi32>
    %mul3A_42 = arith.muli %iota3A, %mul3A_41 : vector<16xi32>
    %add3A_43 = arith.constant 1 : i32
    %add3A_44 = vector.broadcast %add3A_43 : i32 to vector<16xi32>
    %add3A_45 = arith.addi %mul3A_42, %add3A_44 : vector<16xi32>
    %swap3A_46 = arith.constant 16 : index
    %swap3A_47 = tpu.vector_load %arg18[%swap3A_46] {strides = array<i32>} : memref<128xi32, #tpu.memory_space<vmem>>, vector<16xi32>,
    tpu.vector_store %arg18[%swap3A_46], %add3A_45 {strides = array<i32>} : memref<128xi32, #tpu.memory_space<vmem>>, vector<16xi32>,
    %swap3A_48 = arith.constant 16 : index
    %swap3A_49 = tpu.vector_load %arg19[%swap3A_48] {strides = array<i32>} : memref<128xf32, #tpu.memory_space<vmem>>, vector<16xf32>,
    tpu.vector_store %arg19[%swap3A_48], %broadcast_in_dim3A_22 {strides = array<i32>} : memref<128xf32, #tpu.memory_space<vmem>>, vector<16xf32>,
    %swap3A_50 = arith.constant 32 : index
    %swap3A_51 = tpu.vector_load %arg17[%swap3A_50] {strides = array<i32>} : memref<128xi32, #tpu.memory_space<vmem>>, vector<16xi32>,
    tpu.vector_store %arg17[%swap3A_50], %broadcast_in_dim3A_24 {strides = array<i32>} : memref<128xi32, #tpu.memory_space<vmem>>, vector<16xi32>,
    %mul3A_52 = arith.constant 16 : i32
    %mul3A_53 = vector.broadcast %mul3A_52 : i32 to vector<16xi32>
    %mul3A_54 = arith.muli %iota3A, %mul3A_53 : vector<16xi32>
    %add3A_55 = arith.constant 2 : i32
    %add3A_56 = vector.broadcast %add3A_55 : i32 to vector<16xi32>
    %add3A_57 = arith.addi %mul3A_54, %add3A_56 : vector<16xi32>
    %swap3A_58 = arith.constant 32 : index
    %swap3A_59 = tpu.vector_load %arg18[%swap3A_58] {strides = array<i32>} : memref<128xi32, #tpu.memory_space<vmem>>, vector<16xi32>,
    tpu.vector_store %arg18[%swap3A_58], %add3A_57 {strides = array<i32>} : memref<128xi32, #tpu.memory_space<vmem>>, vector<16xi32>,
    %swap3A_60 = arith.constant 32 : index
    %swap3A_61 = tpu.vector_load %arg19[%swap3A_60] {strides = array<i32>} : memref<128xf32, #tpu.memory_space<vmem>>, vector<16xf32>,
    tpu.vector_store %arg19[%swap3A_60], %broadcast_in_dim3A_22 {strides = array<i32>} : memref<128xf32, #tpu.memory_space<vmem>>, vector<16xf32>,
    %swap3A_62 = arith.constant 48 : index
    %swap3A_63 = tpu.vector_load %arg17[%swap3A_62] {strides = array<i32>} : memref<128xi32, #tpu.memory_space<vmem>>, vector<16xi32>,
    tpu.vector_store %arg17[%swap3A_62], %broadcast_in_dim3A_24 {strides = array<i32>} : memref<128xi32, #tpu.memory_space<vmem>>, vector<16xi32>,
    %mul3A_64 = arith.constant 16 : i32
    %mul3A_65 = vector.broadcast %mul3A_64 : i32 to vector<16xi32>
    %mul3A_66 = arith.muli %iota3A, %mul3A_65 : vector<16xi32>
    %add3A_67 = arith.constant 3 : i32
    %add3A_68 = vector.broadcast %add3A_67 : i32 to vector<16xi32>
    %add3A_69 = arith.addi %mul3A_66, %add3A_68 : vector<16xi32>
    %swap3A_70 = arith.constant 48 : index
    %swap3A_71 = tpu.vector_load %arg18[%swap3A_70] {strides = array<i32>} : memref<128xi32, #tpu.memory_space<vmem>>, vector<16xi32>,
    tpu.vector_store %arg18[%swap3A_70], %add3A_69 {strides = array<i32>} : memref<128xi32, #tpu.memory_space<vmem>>, vector<16xi32>,
    %swap3A_72 = arith.constant 48 : index
    %swap3A_73 = tpu.vector_load %arg19[%swap3A_72] {strides = array<i32>} : memref<128xf32, #tpu.memory_space<vmem>>, vector<16xf32>,
    tpu.vector_store %arg19[%swap3A_72], %broadcast_in_dim3A_22 {strides = array<i32>} : memref<128xf32, #tpu.memory_space<vmem>>, vector<16xf32>,
    %swap3A_74 = arith.constant 64 : index
    %swap3A_75 = tpu.vector_load %arg17[%swap3A_74] {strides = array<i32>} : memref<128xi32, #tpu.memory_space<vmem>>, vector<16xi32>,
    tpu.vector_store %arg17[%swap3A_74], %broadcast_in_dim3A_24 {strides = array<i32>} : memref<128xi32, #tpu.memory_space<vmem>>, vector<16xi32>,
    %mul3A_76 = arith.constant 16 : i32
    %mul3A_77 = vector.broadcast %mul3A_76 : i32 to vector<16xi32>
    %mul3A_78 = arith.muli %iota3A, %mul3A_77 : vector<16xi32>
    %add3A_79 = arith.constant 4 : i32
    %add3A_80 = vector.broadcast %add3A_79 : i32 to vector<16xi32>
    %add3A_81 = arith.addi %mul3A_78, %add3A_80 : vector<16xi32>
    %swap3A_82 = arith.constant 64 : index
    %swap3A_83 = tpu.vector_load %arg18[%swap3A_82] {strides = array<i32>} : memref<128xi32, #tpu.memory_space<vmem>>, vector<16xi32>,
    tpu.vector_store %arg18[%swap3A_82], %add3A_81 {strides = array<i32>} : memref<128xi32, #tpu.memory_space<vmem>>, vector<16xi32>,
    %swap3A_84 = arith.constant 64 : index
    %swap3A_85 = tpu.vector_load %arg19[%swap3A_84] {strides = array<i32>} : memref<128xf32, #tpu.memory_space<vmem>>, vector<16xf32>,
    tpu.vector_store %arg19[%swap3A_84], %broadcast_in_dim3A_22 {strides = array<i32>} : memref<128xf32, #tpu.memory_space<vmem>>, vector<16xf32>,
    %swap3A_86 = arith.constant 80 : index
    %swap3A_87 = tpu.vector_load %arg17[%swap3A_86] {strides = array<i32>} : memref<128xi32, #tpu.memory_space<vmem>>, vector<16xi32>,
    tpu.vector_store %arg17[%swap3A_86], %broadcast_in_dim3A_24 {strides = array<i32>} : memref<128xi32, #tpu.memory_space<vmem>>, vector<16xi32>,
    %mul3A_88 = arith.constant 16 : i32
    %mul3A_89 = vector.broadcast %mul3A_88 : i32 to vector<16xi32>
    %mul3A_90 = arith.muli %iota3A, %mul3A_89 : vector<16xi32>
    %add3A_91 = arith.constant 5 : i32
    %add3A_92 = vector.broadcast %add3A_91 : i32 to vector<16xi32>
    %add3A_93 = arith.addi %mul3A_90, %add3A_92 : vector<16xi32>
    %swap3A_94 = arith.constant 80 : index
    %swap3A_95 = tpu.vector_load %arg18[%swap3A_94] {strides = array<i32>} : memref<128xi32, #tpu.memory_space<vmem>>, vector<16xi32>,
    tpu.vector_store %arg18[%swap3A_94], %add3A_93 {strides = array<i32>} : memref<128xi32, #tpu.memory_space<vmem>>, vector<16xi32>,
    %swap3A_96 = arith.constant 80 : index
    %swap3A_97 = tpu.vector_load %arg19[%swap3A_96] {strides = array<i32>} : memref<128xf32, #tpu.memory_space<vmem>>, vector<16xf32>,
    tpu.vector_store %arg19[%swap3A_96], %broadcast_in_dim3A_22 {strides = array<i32>} : memref<128xf32, #tpu.memory_space<vmem>>, vector<16xf32>,
    %swap3A_98 = arith.constant 96 : index
    %swap3A_99 = tpu.vector_load %arg17[%swap3A_98] {strides = array<i32>} : memref<128xi32, #tpu.memory_space<vmem>>, vector<16xi32>,
    tpu.vector_store %arg17[%swap3A_98], %broadcast_in_dim3A_24 {strides = array<i32>} : memref<128xi32, #tpu.memory_space<vmem>>, vector<16xi32>,
    %mul3A_100 = arith.constant 16 : i32
    %mul3A_101 = vector.broadcast %mul3A_100 : i32 to vector<16xi32>
    %mul3A_102 = arith.muli %iota3A, %mul3A_101 : vector<16xi32>
    %add3A_103 = arith.constant 6 : i32
    %add3A_104 = vector.broadcast %add3A_103 : i32 to vector<16xi32>
    %add3A_105 = arith.addi %mul3A_102, %add3A_104 : vector<16xi32>
    %swap3A_106 = arith.constant 96 : index
    %swap3A_107 = tpu.vector_load %arg18[%swap3A_106] {strides = array<i32>} : memref<128xi32, #tpu.memory_space<vmem>>, vector<16xi32>,
    tpu.vector_store %arg18[%swap3A_106], %add3A_105 {strides = array<i32>} : memref<128xi32, #tpu.memory_space<vmem>>, vector<16xi32>,
    %swap3A_108 = arith.constant 96 : index
    %swap3A_109 = tpu.vector_load %arg19[%swap3A_108] {strides = array<i32>} : memref<128xf32, #tpu.memory_space<vmem>>, vector<16xf32>,
    tpu.vector_store %arg19[%swap3A_108], %broadcast_in_dim3A_22 {strides = array<i32>} : memref<128xf32, #tpu.memory_space<vmem>>, vector<16xf32>,
    %swap3A_110 = arith.constant 112 : index
    %swap3A_111 = tpu.vector_load %arg17[%swap3A_110] {strides = array<i32>} : memref<128xi32, #tpu.memory_space<vmem>>, vector<16xi32>,
    tpu.vector_store %arg17[%swap3A_110], %broadcast_in_dim3A_24 {strides = array<i32>} : memref<128xi32, #tpu.memory_space<vmem>>, vector<16xi32>,
    %mul3A_112 = arith.constant 16 : i32
    %mul3A_113 = vector.broadcast %mul3A_112 : i32 to vector<16xi32>
    %mul3A_114 = arith.muli %iota3A, %mul3A_113 : vector<16xi32>
    %add3A_115 = arith.constant 7 : i32
    %add3A_116 = vector.broadcast %add3A_115 : i32 to vector<16xi32>
    %add3A_117 = arith.addi %mul3A_114, %add3A_116 : vector<16xi32>
    %swap3A_118 = arith.constant 112 : index
    %swap3A_119 = tpu.vector_load %arg18[%swap3A_118] {strides = array<i32>} : memref<128xi32, #tpu.memory_space<vmem>>, vector<16xi32>,
    tpu.vector_store %arg18[%swap3A_118], %add3A_117 {strides = array<i32>} : memref<128xi32, #tpu.memory_space<vmem>>, vector<16xi32>,
    %swap3A_120 = arith.constant 112 : index
    %swap3A_121 = tpu.vector_load %arg19[%swap3A_120] {strides = array<i32>} : memref<128xf32, #tpu.memory_space<vmem>>, vector<16xf32>,
    tpu.vector_store %arg19[%swap3A_120], %broadcast_in_dim3A_22 {strides = array<i32>} : memref<128xf32, #tpu.memory_space<vmem>>, vector<16xf32>,
    %dma_wait3A = arith.constant 0 : i32
    %dma_wait3A_122 = tpu.memref_slice %arg13[%dma_wait3A] : memref<5008xi32, #tpu.memory_space<vmem>> -> memref<5000xi32, #tpu.memory_space<vmem>>
    %dma_wait3A_123 = tpu.memref_slice %arg2[%mul3A_2] : memref<320000xi32, #tpu.memory_space<hbm>> -> memref<5000xi32, #tpu.memory_space<hbm>>
    %dma_wait3A_124 = arith.constant 0 : i32
    %dma_wait3A_125 = tpu.memref_slice %arg13[%dma_wait3A_124] : memref<5008xi32, #tpu.memory_space<vmem>> -> memref<5000xi32, #tpu.memory_space<vmem>>
    %dma_wait3A_126 = tpu.memref_slice %arg2[%mul3A_2] : memref<320000xi32, #tpu.memory_space<hbm>> -> memref<5000xi32, #tpu.memory_space<hbm>>
    tpu.wait_dma2 semaphore(%arg22 : memref<!tpu.dma_semaphore, #tpu.memory_space<semaphore_mem>>) src(%dma_wait3A_126 : memref<5000xi32, #tpu.memory_space<hbm>>) dst(%dma_wait3A_125 : memref<5000xi32, #tpu.memory_space<vmem>>)
    %dma_wait3A_127 = arith.constant 0 : i32
    %dma_wait3A_128 = tpu.memref_slice %arg14[%dma_wait3A_127] : memref<5008xi32, #tpu.memory_space<vmem>> -> memref<5000xi32, #tpu.memory_space<vmem>>
    %dma_wait3A_129 = tpu.memref_slice %arg2[%add3A_9] : memref<320000xi32, #tpu.memory_space<hbm>> -> memref<5000xi32, #tpu.memory_space<hbm>>
    %dma_wait3A_130 = arith.constant 0 : i32
    %dma_wait3A_131 = tpu.memref_slice %arg14[%dma_wait3A_130] : memref<5008xi32, #tpu.memory_space<vmem>> -> memref<5000xi32, #tpu.memory_space<vmem>>
    %dma_wait3A_132 = tpu.memref_slice %arg2[%add3A_9] : memref<320000xi32, #tpu.memory_space<hbm>> -> memref<5000xi32, #tpu.memory_space<hbm>>
    tpu.wait_dma2 semaphore(%arg22 : memref<!tpu.dma_semaphore, #tpu.memory_space<semaphore_mem>>) src(%dma_wait3A_132 : memref<5000xi32, #tpu.memory_space<hbm>>) dst(%dma_wait3A_131 : memref<5000xi32, #tpu.memory_space<vmem>>)
    %dma_wait3A_133 = arith.constant 0 : i32
    %dma_wait3A_134 = tpu.memref_slice %arg15[%dma_wait3A_133] : memref<5008xf32, #tpu.memory_space<vmem>> -> memref<5000xf32, #tpu.memory_space<vmem>>
    %dma_wait3A_135 = tpu.memref_slice %arg3[%mul3A_2] : memref<160000xf32, #tpu.memory_space<hbm>> -> memref<5000xf32, #tpu.memory_space<hbm>>
    %dma_wait3A_136 = arith.constant 0 : i32
    %dma_wait3A_137 = tpu.memref_slice %arg15[%dma_wait3A_136] : memref<5008xf32, #tpu.memory_space<vmem>> -> memref<5000xf32, #tpu.memory_space<vmem>>
    %dma_wait3A_138 = tpu.memref_slice %arg3[%mul3A_2] : memref<160000xf32, #tpu.memory_space<hbm>> -> memref<5000xf32, #tpu.memory_space<hbm>>
    tpu.wait_dma2 semaphore(%arg22 : memref<!tpu.dma_semaphore, #tpu.memory_space<semaphore_mem>>) src(%dma_wait3A_138 : memref<5000xf32, #tpu.memory_space<hbm>>) dst(%dma_wait3A_137 : memref<5000xf32, #tpu.memory_space<vmem>>)
    tpu.wait_dma2 semaphore(%arg22 : memref<!tpu.dma_semaphore, #tpu.memory_space<semaphore_mem>>) src(%arg4 : memref<64xi32, #tpu.memory_space<hbm>>) dst(%arg16 : memref<64xi32, #tpu.memory_space<vmem>>)
    tpu.wait_dma2 semaphore(%arg23 : memref<!tpu.dma_semaphore, #tpu.memory_space<semaphore_mem>>) src(%arg6 : memref<10248xi32, #tpu.memory_space<hbm>>) dst(%arg12 : memref<10248xi32, #tpu.memory_space<vmem>>)
    %get3A = arith.constant 0 : index
    %get3A_139 = tpu.vector_load %arg16[%get3A] {strides = array<i32>} : memref<64xi32, #tpu.memory_space<vmem>>, vector<16xi32>,
    tpu.vector_store_idx %arg12[%get3A_139], %broadcast_in_dim3A_26 : memref<10248xi32, #tpu.memory_space<vmem>>[vector<16xi32>], vector<16xi32>,
    %get3A_140 = arith.constant 16 : index
    %get3A_141 = tpu.vector_load %arg16[%get3A_140] {strides = array<i32>} : memref<64xi32, #tpu.memory_space<vmem>>, vector<16xi32>,
    tpu.vector_store_idx %arg12[%get3A_141], %broadcast_in_dim3A_26 : memref<10248xi32, #tpu.memory_space<vmem>>[vector<16xi32>], vector<16xi32>,
    %get3A_142 = arith.constant 32 : index
    %get3A_143 = tpu.vector_load %arg16[%get3A_142] {strides = array<i32>} : memref<64xi32, #tpu.memory_space<vmem>>, vector<16xi32>,
    tpu.vector_store_idx %arg12[%get3A_143], %broadcast_in_dim3A_26 : memref<10248xi32, #tpu.memory_space<vmem>>[vector<16xi32>], vector<16xi32>,
    %get3A_144 = arith.constant 48 : index
    %get3A_145 = tpu.vector_load %arg16[%get3A_144] {strides = array<i32>} : memref<64xi32, #tpu.memory_space<vmem>>, vector<16xi32>,
    tpu.vector_store_idx %arg12[%get3A_145], %broadcast_in_dim3A_26 : memref<10248xi32, #tpu.memory_space<vmem>>[vector<16xi32>], vector<16xi32>,
    %scan3A = arith.constant 0 : i32
    %scan3A_146 = arith.constant 0 : i32
    %scan3A_147 = arith.constant 312 : i32
    %scan3A_148 = arith.addi %scan3A_146, %scan3A_147 : i32
    %scan3A_149 = arith.constant 1 : i32
    %scan3A_150 = scf.for %scan3A_221 = %scan3A_146 to %scan3A_148 step %scan3A_149 iter_args(%scan3A_222 = %scan3A) -> (i32)  : i32 {
      %mul3A_223 = arith.constant 16 : i32
      %mul3A_224 = arith.muli %scan3A_221, %mul3A_223 : i32
      %get3A_225 = arith.index_cast %mul3A_224 : i32 to index
      %get3A_226 = tpu.vector_load %arg13[%get3A_225] {strides = array<i32>} : memref<5008xi32, #tpu.memory_space<vmem>>, vector<16xi32>,
      %mul3A_227 = arith.constant 16 : i32
      %mul3A_228 = arith.muli %scan3A_221, %mul3A_227 : i32
      %get3A_229 = arith.index_cast %mul3A_228 : i32 to index
      %get3A_230 = tpu.vector_load %arg14[%get3A_229] {strides = array<i32>} : memref<5008xi32, #tpu.memory_space<vmem>>, vector<16xi32>,
      %mul3A_231 = arith.constant 16 : i32
      %mul3A_232 = arith.muli %scan3A_221, %mul3A_231 : i32
      %get3A_233 = arith.index_cast %mul3A_232 : i32 to index
      %get3A_234 = tpu.vector_load %arg15[%get3A_233] {strides = array<i32>} : memref<5008xf32, #tpu.memory_space<vmem>>, vector<16xf32>,
      %gather3A_235 = tpu.vector_load_idx %arg12[%get3A_226] : memref<10248xi32, #tpu.memory_space<vmem>>[vector<16xi32>], vector<16xi32>,
      %gather3A_236 = tpu.vector_load_idx %arg12[%get3A_230] : memref<10248xi32, #tpu.memory_space<vmem>>[vector<16xi32>], vector<16xi32>,
      %gt3A_237 = arith.constant 0 : i32
      %gt3A_238 = vector.broadcast %gt3A_237 : i32 to vector<16xi32>
      %gt3A_239 = arith.cmpi sgt, %gather3A_235, %gt3A_238 : vector<16xi32>
      %gt3A_240 = arith.constant 0 : i32
      %gt3A_241 = vector.broadcast %gt3A_240 : i32 to vector<16xi32>
      %gt3A_242 = arith.cmpi sgt, %gather3A_236, %gt3A_241 : vector<16xi32>
      %ne3A_243 = arith.cmpi ne, %get3A_226, %get3A_230 : vector<16xi32>
      %and3A_244 = arith.andi %gt3A_242, %ne3A_243 : vector<16xi1>
      %min3A_245 = arith.constant 112 : i32
      %min3A_246 = arith.minsi %scan3A_222, %min3A_245 : i32
      %swap3A_247 = arith.index_cast %min3A_246 : i32 to index
      %swap3A_248 = tpu.vector_load %arg17[%swap3A_247] masked %gt3A_239 {strides = array<i32>} : memref<128xi32, #tpu.memory_space<vmem>>, vector<16xi32>, vector<16xi1>
      tpu.vector_store %arg17[%swap3A_247], %get3A_226 masked %gt3A_239 {strides = array<i32>} : memref<128xi32, #tpu.memory_space<vmem>>, vector<16xi32>, vector<16xi1>
      %swap3A_249 = arith.index_cast %min3A_246 : i32 to index
      %swap3A_250 = tpu.vector_load %arg18[%swap3A_249] masked %gt3A_239 {strides = array<i32>} : memref<128xi32, #tpu.memory_space<vmem>>, vector<16xi32>, vector<16xi1>
      tpu.vector_store %arg18[%swap3A_249], %get3A_230 masked %gt3A_239 {strides = array<i32>} : memref<128xi32, #tpu.memory_space<vmem>>, vector<16xi32>, vector<16xi1>
      %swap3A_251 = arith.index_cast %min3A_246 : i32 to index
      %swap3A_252 = tpu.vector_load %arg19[%swap3A_251] masked %gt3A_239 {strides = array<i32>} : memref<128xf32, #tpu.memory_space<vmem>>, vector<16xf32>, vector<16xi1>
      tpu.vector_store %arg19[%swap3A_251], %get3A_234 masked %gt3A_239 {strides = array<i32>} : memref<128xf32, #tpu.memory_space<vmem>>, vector<16xf32>, vector<16xi1>
      %all_reduce_population_count3A_253 = tpu.all_reduce %gt3A_239 {dim = 0 : i64, kind = #tpu.reduction_kind<sum>} : vector<16xi1> -> vector<16xi32>
      %slice3A_254 = vector.extract_strided_slice %all_reduce_population_count3A_253 {offsets = [0], sizes = [1], strides = [1]} : vector<16xi32> to vector<1xi32>
      %squeeze3A_255 = vector.extract %slice3A_254[0] : i32 from vector<1xi32>
      %add3A_256 = arith.addi %scan3A_222, %squeeze3A_255 : i32
      %min3A_257 = arith.constant 112 : i32
      %min3A_258 = arith.minsi %add3A_256, %min3A_257 : i32
      %swap3A_259 = arith.index_cast %min3A_258 : i32 to index
      %swap3A_260 = tpu.vector_load %arg17[%swap3A_259] masked %and3A_244 {strides = array<i32>} : memref<128xi32, #tpu.memory_space<vmem>>, vector<16xi32>, vector<16xi1>
      tpu.vector_store %arg17[%swap3A_259], %get3A_230 masked %and3A_244 {strides = array<i32>} : memref<128xi32, #tpu.memory_space<vmem>>, vector<16xi32>, vector<16xi1>
      %swap3A_261 = arith.index_cast %min3A_258 : i32 to index
      %swap3A_262 = tpu.vector_load %arg18[%swap3A_261] masked %and3A_244 {strides = array<i32>} : memref<128xi32, #tpu.memory_space<vmem>>, vector<16xi32>, vector<16xi1>
      tpu.vector_store %arg18[%swap3A_261], %get3A_226 masked %and3A_244 {strides = array<i32>} : memref<128xi32, #tpu.memory_space<vmem>>, vector<16xi32>, vector<16xi1>
      %swap3A_263 = arith.index_cast %min3A_258 : i32 to index
      %swap3A_264 = tpu.vector_load %arg19[%swap3A_263] masked %and3A_244 {strides = array<i32>} : memref<128xf32, #tpu.memory_space<vmem>>, vector<16xf32>, vector<16xi1>
      tpu.vector_store %arg19[%swap3A_263], %get3A_234 masked %and3A_244 {strides = array<i32>} : memref<128xf32, #tpu.memory_space<vmem>>, vector<16xf32>, vector<16xi1>
      %all_reduce_population_count3A_265 = tpu.all_reduce %and3A_244 {dim = 0 : i64, kind = #tpu.reduction_kind<sum>} : vector<16xi1> -> vector<16xi32>
      %slice3A_266 = vector.extract_strided_slice %all_reduce_population_count3A_265 {offsets = [0], sizes = [1], strides = [1]} : vector<16xi32> to vector<1xi32>
      %squeeze3A_267 = vector.extract %slice3A_266[0] : i32 from vector<1xi32>
      %add3A_268 = arith.addi %add3A_256, %squeeze3A_267 : i32
      scf.yield %add3A_268 : i32
    }
    %scan3A_151 = arith.constant 312 : i32
    %lt3A = arith.constant 8 : i32
    %lt3A_152 = vector.broadcast %lt3A : i32 to vector<16xi32>
    %lt3A_153 = arith.cmpi slt, %iota3A, %lt3A_152 : vector<16xi32>
    %get3A_154 = arith.constant 4992 : index
    %get3A_155 = tpu.vector_load %arg13[%get3A_154] {strides = array<i32>} : memref<5008xi32, #tpu.memory_space<vmem>>, vector<16xi32>,
    %jit3A = arith.constant 10000 : i32
    %broadcast_in_dim3A_156 = vector.broadcast %jit3A : i32 to vector<16xi32>
    %select_n3A = arith.select %lt3A_153, %get3A_155, %broadcast_in_dim3A_156 : vector<16xi1>, vector<16xi32>
    %get3A_157 = arith.constant 4992 : index
    %get3A_158 = tpu.vector_load %arg14[%get3A_157] {strides = array<i32>} : memref<5008xi32, #tpu.memory_space<vmem>>, vector<16xi32>,
    %jit3A_159 = arith.constant 10000 : i32
    %broadcast_in_dim3A_160 = vector.broadcast %jit3A_159 : i32 to vector<16xi32>
    %select_n3A_161 = arith.select %lt3A_153, %get3A_158, %broadcast_in_dim3A_160 : vector<16xi1>, vector<16xi32>
    %get3A_162 = arith.constant 4992 : index
    %get3A_163 = tpu.vector_load %arg15[%get3A_162] {strides = array<i32>} : memref<5008xf32, #tpu.memory_space<vmem>>, vector<16xf32>,
    %jit3A_164 = arith.constant 0.000000e+00 : f32
    %broadcast_in_dim3A_165 = vector.broadcast %jit3A_164 : f32 to vector<16xf32>
    %select_n3A_166 = arith.select %lt3A_153, %get3A_163, %broadcast_in_dim3A_165 : vector<16xi1>, vector<16xf32>
    %gather3A = tpu.vector_load_idx %arg12[%select_n3A] : memref<10248xi32, #tpu.memory_space<vmem>>[vector<16xi32>], vector<16xi32>,
    %gather3A_167 = tpu.vector_load_idx %arg12[%select_n3A_161] : memref<10248xi32, #tpu.memory_space<vmem>>[vector<16xi32>], vector<16xi32>,
    %gt3A = arith.constant 0 : i32
    %gt3A_168 = vector.broadcast %gt3A : i32 to vector<16xi32>
    %gt3A_169 = arith.cmpi sgt, %gather3A, %gt3A_168 : vector<16xi32>
    %gt3A_170 = arith.constant 0 : i32
    %gt3A_171 = vector.broadcast %gt3A_170 : i32 to vector<16xi32>
    %gt3A_172 = arith.cmpi sgt, %gather3A_167, %gt3A_171 : vector<16xi32>
    %ne3A = arith.cmpi ne, %select_n3A, %select_n3A_161 : vector<16xi32>
    %and3A = arith.andi %gt3A_172, %ne3A : vector<16xi1>
    %min3A = arith.constant 112 : i32
    %min3A_173 = arith.minsi %scan3A_150, %min3A : i32
    %swap3A_174 = arith.index_cast %min3A_173 : i32 to index
    %swap3A_175 = tpu.vector_load %arg17[%swap3A_174] masked %gt3A_169 {strides = array<i32>} : memref<128xi32, #tpu.memory_space<vmem>>, vector<16xi32>, vector<16xi1>
    tpu.vector_store %arg17[%swap3A_174], %select_n3A masked %gt3A_169 {strides = array<i32>} : memref<128xi32, #tpu.memory_space<vmem>>, vector<16xi32>, vector<16xi1>
    %swap3A_176 = arith.index_cast %min3A_173 : i32 to index
    %swap3A_177 = tpu.vector_load %arg18[%swap3A_176] masked %gt3A_169 {strides = array<i32>} : memref<128xi32, #tpu.memory_space<vmem>>, vector<16xi32>, vector<16xi1>
    tpu.vector_store %arg18[%swap3A_176], %select_n3A_161 masked %gt3A_169 {strides = array<i32>} : memref<128xi32, #tpu.memory_space<vmem>>, vector<16xi32>, vector<16xi1>
    %swap3A_178 = arith.index_cast %min3A_173 : i32 to index
    %swap3A_179 = tpu.vector_load %arg19[%swap3A_178] masked %gt3A_169 {strides = array<i32>} : memref<128xf32, #tpu.memory_space<vmem>>, vector<16xf32>, vector<16xi1>
    tpu.vector_store %arg19[%swap3A_178], %select_n3A_166 masked %gt3A_169 {strides = array<i32>} : memref<128xf32, #tpu.memory_space<vmem>>, vector<16xf32>, vector<16xi1>
    %all_reduce_population_count3A = tpu.all_reduce %gt3A_169 {dim = 0 : i64, kind = #tpu.reduction_kind<sum>} : vector<16xi1> -> vector<16xi32>
    %slice3A = vector.extract_strided_slice %all_reduce_population_count3A {offsets = [0], sizes = [1], strides = [1]} : vector<16xi32> to vector<1xi32>
    %squeeze3A = vector.extract %slice3A[0] : i32 from vector<1xi32>
    %add3A_180 = arith.addi %scan3A_150, %squeeze3A : i32
    %min3A_181 = arith.constant 112 : i32
    %min3A_182 = arith.minsi %add3A_180, %min3A_181 : i32
    %swap3A_183 = arith.index_cast %min3A_182 : i32 to index
    %swap3A_184 = tpu.vector_load %arg17[%swap3A_183] masked %and3A {strides = array<i32>} : memref<128xi32, #tpu.memory_space<vmem>>, vector<16xi32>, vector<16xi1>
    tpu.vector_store %arg17[%swap3A_183], %select_n3A_161 masked %and3A {strides = array<i32>} : memref<128xi32, #tpu.memory_space<vmem>>, vector<16xi32>, vector<16xi1>
    %swap3A_185 = arith.index_cast %min3A_182 : i32 to index
    %swap3A_186 = tpu.vector_load %arg18[%swap3A_185] masked %and3A {strides = array<i32>} : memref<128xi32, #tpu.memory_space<vmem>>, vector<16xi32>, vector<16xi1>
    tpu.vector_store %arg18[%swap3A_185], %select_n3A masked %and3A {strides = array<i32>} : memref<128xi32, #tpu.memory_space<vmem>>, vector<16xi32>, vector<16xi1>
    %swap3A_187 = arith.index_cast %min3A_182 : i32 to index
    %swap3A_188 = tpu.vector_load %arg19[%swap3A_187] masked %and3A {strides = array<i32>} : memref<128xf32, #tpu.memory_space<vmem>>, vector<16xf32>, vector<16xi1>
    tpu.vector_store %arg19[%swap3A_187], %select_n3A_166 masked %and3A {strides = array<i32>} : memref<128xf32, #tpu.memory_space<vmem>>, vector<16xf32>, vector<16xi1>
    %all_reduce_population_count3A_189 = tpu.all_reduce %and3A {dim = 0 : i64, kind = #tpu.reduction_kind<sum>} : vector<16xi1> -> vector<16xi32>
    %slice3A_190 = vector.extract_strided_slice %all_reduce_population_count3A_189 {offsets = [0], sizes = [1], strides = [1]} : vector<16xi32> to vector<1xi32>
    %squeeze3A_191 = vector.extract %slice3A_190[0] : i32 from vector<1xi32>
    %add3A_192 = arith.addi %add3A_180, %squeeze3A_191 : i32
    %dma_start3A_193 = arith.constant 0 : i32
    %dma_start3A_194 = arith.constant 0 : i32
    %dma_start3A_195 = tpu.memref_slice %arg5[%dma_start3A_193, %dma_start3A_194] : memref<10000x128xf32, #tpu.memory_space<hbm>> -> memref<10000x128xf32, #tpu.memory_space<hbm>>
    tpu.enqueue_indirect_dma source(%dma_start3A_195 : memref<10000x128xf32, #tpu.memory_space<hbm>>) target(%arg20 : memref<128x128xf32, #tpu.memory_space<vmem>>) offsets(%arg18 : memref<128xi32, #tpu.memory_space<vmem>>) semaphore(%arg22 : memref<!tpu.dma_semaphore, #tpu.memory_space<semaphore_mem>>)
    %mul3A_196 = arith.constant 128 : i32
    %mul3A_197 = arith.muli %add3A, %mul3A_196 : i32
    %dma_start3A_198 = tpu.memref_slice %arg7[%mul3A_197] : memref<4096xi32, #tpu.memory_space<hbm>> -> memref<128xi32, #tpu.memory_space<hbm>>
    %dma_start3A_199 = tpu.memref_slice %arg7[%mul3A_197] : memref<4096xi32, #tpu.memory_space<hbm>> -> memref<128xi32, #tpu.memory_space<hbm>>
    tpu.enqueue_dma source(%arg17 : memref<128xi32, #tpu.memory_space<vmem>>) target(%dma_start3A_199 : memref<128xi32, #tpu.memory_space<hbm>>) target_semaphore(%arg23 : memref<!tpu.dma_semaphore, #tpu.memory_space<semaphore_mem>>)
    %mul3A_200 = arith.constant 128 : i32
    %mul3A_201 = arith.muli %add3A, %mul3A_200 : i32
    %dma_start3A_202 = tpu.memref_slice %arg8[%mul3A_201] : memref<4096xi32, #tpu.memory_space<hbm>> -> memref<128xi32, #tpu.memory_space<hbm>>
    %dma_start3A_203 = tpu.memref_slice %arg8[%mul3A_201] : memref<4096xi32, #tpu.memory_space<hbm>> -> memref<128xi32, #tpu.memory_space<hbm>>
    tpu.enqueue_dma source(%arg18 : memref<128xi32, #tpu.memory_space<vmem>>) target(%dma_start3A_203 : memref<128xi32, #tpu.memory_space<hbm>>) target_semaphore(%arg23 : memref<!tpu.dma_semaphore, #tpu.memory_space<semaphore_mem>>)
    %mul3A_204 = arith.constant 128 : i32
    %mul3A_205 = arith.muli %add3A, %mul3A_204 : i32
    %dma_start3A_206 = tpu.memref_slice %arg9[%mul3A_205] : memref<4096xf32, #tpu.memory_space<hbm>> -> memref<128xf32, #tpu.memory_space<hbm>>
    %dma_start3A_207 = tpu.memref_slice %arg9[%mul3A_205] : memref<4096xf32, #tpu.memory_space<hbm>> -> memref<128xf32, #tpu.memory_space<hbm>>
    tpu.enqueue_dma source(%arg19 : memref<128xf32, #tpu.memory_space<vmem>>) target(%dma_start3A_207 : memref<128xf32, #tpu.memory_space<hbm>>) target_semaphore(%arg23 : memref<!tpu.dma_semaphore, #tpu.memory_space<semaphore_mem>>)
    %dma_wait3A_208 = arith.constant 0 : i32
    %dma_wait3A_209 = arith.constant 0 : i32
    %dma_wait3A_210 = tpu.memref_slice %arg5[%dma_wait3A_208, %dma_wait3A_209] : memref<10000x128xf32, #tpu.memory_space<hbm>> -> memref<10000x128xf32, #tpu.memory_space<hbm>>
    tpu.wait_indirect_dma semaphore(%arg22 : memref<!tpu.dma_semaphore, #tpu.memory_space<semaphore_mem>>) src(%dma_wait3A_210 : memref<10000x128xf32, #tpu.memory_space<hbm>>) dst(%arg20 : memref<128x128xf32, #tpu.memory_space<vmem>>)
    %mul3A_211 = arith.constant 128 : i32
    %mul3A_212 = arith.muli %add3A, %mul3A_211 : i32
    "tpu.region"() ({
      %run_scoped3A = tpu.sem_alloc : memref<!tpu.dma_semaphore, #tpu.memory_space<semaphore_mem>>
      %dma_start3A_221 = arith.constant 0 : i32
      %dma_start3A_222 = tpu.memref_slice %arg10[%mul3A_212, %dma_start3A_221] : memref<4096x128xf32, #tpu.memory_space<hbm>> -> memref<128x128xf32, #tpu.memory_space<hbm>>
      %dma_start3A_223 = arith.constant 0 : i32
      %dma_start3A_224 = tpu.memref_slice %arg10[%mul3A_212, %dma_start3A_223] : memref<4096x128xf32, #tpu.memory_space<hbm>> -> memref<128x128xf32, #tpu.memory_space<hbm>>
      tpu.enqueue_dma source(%arg20 : memref<128x128xf32, #tpu.memory_space<vmem>>) target(%dma_start3A_224 : memref<128x128xf32, #tpu.memory_space<hbm>>) target_semaphore(%run_scoped3A : memref<!tpu.dma_semaphore, #tpu.memory_space<semaphore_mem>>)
      %dma_wait3A_225 = arith.constant 0 : i32
      %dma_wait3A_226 = tpu.memref_slice %arg10[%mul3A_212, %dma_wait3A_225] : memref<4096x128xf32, #tpu.memory_space<hbm>> -> memref<128x128xf32, #tpu.memory_space<hbm>>
      %dma_wait3A_227 = arith.constant 0 : i32
      %dma_wait3A_228 = tpu.memref_slice %arg10[%mul3A_212, %dma_wait3A_227] : memref<4096x128xf32, #tpu.memory_space<hbm>> -> memref<128x128xf32, #tpu.memory_space<hbm>>
      tpu.wait_dma2 semaphore(%run_scoped3A : memref<!tpu.dma_semaphore, #tpu.memory_space<semaphore_mem>>) src(%arg20 : memref<128x128xf32, #tpu.memory_space<vmem>>) dst(%dma_wait3A_228 : memref<128x128xf32, #tpu.memory_space<hbm>>)
      tpu.yield
    }) : () -> ()
    %dma_wait3A_213 = tpu.memref_slice %arg7[%mul3A_197] : memref<4096xi32, #tpu.memory_space<hbm>> -> memref<128xi32, #tpu.memory_space<hbm>>
    %dma_wait3A_214 = tpu.memref_slice %arg7[%mul3A_197] : memref<4096xi32, #tpu.memory_space<hbm>> -> memref<128xi32, #tpu.memory_space<hbm>>
    tpu.wait_dma2 semaphore(%arg23 : memref<!tpu.dma_semaphore, #tpu.memory_space<semaphore_mem>>) src(%arg17 : memref<128xi32, #tpu.memory_space<vmem>>) dst(%dma_wait3A_214 : memref<128xi32, #tpu.memory_space<hbm>>)
    %dma_wait3A_215 = tpu.memref_slice %arg8[%mul3A_201] : memref<4096xi32, #tpu.memory_space<hbm>> -> memref<128xi32, #tpu.memory_space<hbm>>
    %dma_wait3A_216 = tpu.memref_slice %arg8[%mul3A_201] : memref<4096xi32, #tpu.memory_space<hbm>> -> memref<128xi32, #tpu.memory_space<hbm>>
    tpu.wait_dma2 semaphore(%arg23 : memref<!tpu.dma_semaphore, #tpu.memory_space<semaphore_mem>>) src(%arg18 : memref<128xi32, #tpu.memory_space<vmem>>) dst(%dma_wait3A_216 : memref<128xi32, #tpu.memory_space<hbm>>)
    %dma_wait3A_217 = tpu.memref_slice %arg9[%mul3A_205] : memref<4096xf32, #tpu.memory_space<hbm>> -> memref<128xf32, #tpu.memory_space<hbm>>
    %dma_wait3A_218 = tpu.memref_slice %arg9[%mul3A_205] : memref<4096xf32, #tpu.memory_space<hbm>> -> memref<128xf32, #tpu.memory_space<hbm>>
    tpu.wait_dma2 semaphore(%arg23 : memref<!tpu.dma_semaphore, #tpu.memory_space<semaphore_mem>>) src(%arg19 : memref<128xf32, #tpu.memory_space<vmem>>) dst(%dma_wait3A_218 : memref<128xf32, #tpu.memory_space<hbm>>)
    %eq3A = arith.constant 0 : i32
    %eq3A_219 = arith.cmpi eq, %add3A, %eq3A : i32
    %convert_element_type3A = arith.extui %eq3A_219 : i1 to i32
    %cond3A = arith.constant 0 : i32
    %cond3A_220 = arith.cmpi ne, %convert_element_type3A, %cond3A : i32
    scf.if %cond3A_220 {
      %dma_start3A_221 = arith.constant 0 : i32
      %dma_start3A_222 = arith.constant 0 : i32
      %dma_start3A_223 = tpu.memref_slice %arg5[%dma_start3A_221, %dma_start3A_222] : memref<10000x128xf32, #tpu.memory_space<hbm>> -> memref<10000x128xf32, #tpu.memory_space<hbm>>
      tpu.enqueue_indirect_dma source(%dma_start3A_223 : memref<10000x128xf32, #tpu.memory_space<hbm>>) target(%arg21 : memref<64x128xf32, #tpu.memory_space<vmem>>) offsets(%arg16 : memref<64xi32, #tpu.memory_space<vmem>>) semaphore(%arg22 : memref<!tpu.dma_semaphore, #tpu.memory_space<semaphore_mem>>)
      %dma_wait3A_224 = arith.constant 0 : i32
      %dma_wait3A_225 = arith.constant 0 : i32
      %dma_wait3A_226 = tpu.memref_slice %arg5[%dma_wait3A_224, %dma_wait3A_225] : memref<10000x128xf32, #tpu.memory_space<hbm>> -> memref<10000x128xf32, #tpu.memory_space<hbm>>
      tpu.wait_indirect_dma semaphore(%arg22 : memref<!tpu.dma_semaphore, #tpu.memory_space<semaphore_mem>>) src(%dma_wait3A_226 : memref<10000x128xf32, #tpu.memory_space<hbm>>) dst(%arg21 : memref<64x128xf32, #tpu.memory_space<vmem>>)
      "tpu.region"() ({
        %run_scoped3A = tpu.sem_alloc : memref<!tpu.dma_semaphore, #tpu.memory_space<semaphore_mem>>
        tpu.enqueue_dma source(%arg21 : memref<64x128xf32, #tpu.memory_space<vmem>>) target(%arg11 : memref<64x128xf32, #tpu.memory_space<hbm>>) target_semaphore(%run_scoped3A : memref<!tpu.dma_semaphore, #tpu.memory_space<semaphore_mem>>)
        tpu.wait_dma2 semaphore(%run_scoped3A : memref<!tpu.dma_semaphore, #tpu.memory_space<semaphore_mem>>) src(%arg21 : memref<64x128xf32, #tpu.memory_space<vmem>>) dst(%arg11 : memref<64x128xf32, #tpu.memory_space<hbm>>)
        tpu.yield
      }) : () -> ()
    } else {
    }
    return
  }
}

module attributes {stable_mosaic.version = 14 : i64} {
  func.func @_tc_body(%arg0: memref<4096x128xf32, #tpu.memory_space<vmem>>, %arg1: memref<64x128xf32, #tpu.memory_space<vmem>>, %arg2: memref<4096x1xi32, #tpu.memory_space<vmem>>, %arg3: memref<4096x1xi32, #tpu.memory_space<vmem>>, %arg4: memref<4096x1xf32, #tpu.memory_space<vmem>>, %arg5: memref<1x64xi32, #tpu.memory_space<vmem>>, %arg6: memref<128x128xf32, #tpu.memory_space<vmem>>, %arg7: memref<128xf32, #tpu.memory_space<vmem>>, %arg8: memref<128x128xf32, #tpu.memory_space<vmem>>, %arg9: memref<128xf32, #tpu.memory_space<vmem>>, %arg10: memref<128x1xf32, #tpu.memory_space<vmem>>, %arg11: memref<128xf32, #tpu.memory_space<vmem>>, %arg12: memref<128x128xf32, #tpu.memory_space<vmem>>, %arg13: memref<128xf32, #tpu.memory_space<vmem>>, %arg14: memref<384x128xf32, #tpu.memory_space<vmem>>, %arg15: memref<384xf32, #tpu.memory_space<vmem>>, %arg16: memref<128x128xf32, #tpu.memory_space<vmem>>, %arg17: memref<128xf32, #tpu.memory_space<vmem>>, %arg18: memref<128x128xf32, #tpu.memory_space<vmem>>, %arg19: memref<128xf32, #tpu.memory_space<vmem>>, %arg20: memref<128x128xf32, #tpu.memory_space<vmem>>, %arg21: memref<128xf32, #tpu.memory_space<vmem>>, %arg22: memref<128x1xf32, #tpu.memory_space<vmem>>, %arg23: memref<128xf32, #tpu.memory_space<vmem>>, %arg24: memref<128x128xf32, #tpu.memory_space<vmem>>, %arg25: memref<128xf32, #tpu.memory_space<vmem>>, %arg26: memref<384x128xf32, #tpu.memory_space<vmem>>, %arg27: memref<384xf32, #tpu.memory_space<vmem>>, %arg28: memref<128x128xf32, #tpu.memory_space<vmem>>, %arg29: memref<128xf32, #tpu.memory_space<vmem>>, %arg30: memref<128x128xf32, #tpu.memory_space<vmem>>, %arg31: memref<128xf32, #tpu.memory_space<vmem>>, %arg32: memref<128x128xf32, #tpu.memory_space<vmem>>, %arg33: memref<128xf32, #tpu.memory_space<vmem>>, %arg34: memref<64x128xf32, #tpu.memory_space<vmem>>, %arg35: memref<64xf32, #tpu.memory_space<vmem>>, %arg36: memref<128x128xf32, #tpu.memory_space<vmem>>, %arg37: memref<128xf32, #tpu.memory_space<vmem>>, %arg38: memref<64x128xf32, #tpu.memory_space<vmem>>, %arg39: memref<64xf32, #tpu.memory_space<vmem>>, %arg40: memref<64x1xf32, #tpu.memory_space<vmem>>, %arg41: memref<1x1xf32, #tpu.memory_space<vmem>>, %arg42: memref<32x1xf32, #tpu.memory_space<vmem>>) attributes {dimension_semantics = [], scalar_prefetch = 0 : i64, scratch_operands = 0 : i64, tpu.core_type = #tpu.core_type<tc>} {
    %get3A = arith.constant 0 : index
    %get3A_0 = arith.constant 0 : index
    %get3A_1 = vector.load %arg2[%get3A, %get3A_0] : memref<4096x1xi32, #tpu.memory_space<vmem>>, vector<4096x1xi32>
    %get3A_2 = arith.constant 0 : index
    %get3A_3 = arith.constant 0 : index
    %get3A_4 = vector.load %arg3[%get3A_2, %get3A_3] : memref<4096x1xi32, #tpu.memory_space<vmem>>, vector<4096x1xi32>
    %get3A_5 = arith.constant 0 : index
    %get3A_6 = arith.constant 0 : index
    %get3A_7 = vector.load %arg4[%get3A_5, %get3A_6] : memref<4096x1xf32, #tpu.memory_space<vmem>>, vector<4096x1xf32>
    %get3A_8 = arith.constant 0 : index
    %get3A_9 = arith.constant 0 : index
    %get3A_10 = vector.load %arg5[%get3A_8, %get3A_9] : memref<1x64xi32, #tpu.memory_space<vmem>>, vector<1x64xi32>
    %eq3A = vector.broadcast %get3A_1 : vector<4096x1xi32> to vector<4096x64xi32>
    %eq3A_11 = vector.broadcast %get3A_10 : vector<1x64xi32> to vector<4096x64xi32>
    %eq3A_12 = arith.cmpi eq, %eq3A, %eq3A_11 : vector<4096x64xi32>
    %convert_element_type3A = arith.extui %eq3A_12 : vector<4096x64xi1> to vector<4096x64xi32>
    %convert_element_type3A_13 = arith.sitofp %convert_element_type3A : vector<4096x64xi32> to vector<4096x64xf32>
    %eq3A_14 = vector.broadcast %get3A_4 : vector<4096x1xi32> to vector<4096x64xi32>
    %eq3A_15 = vector.broadcast %get3A_10 : vector<1x64xi32> to vector<4096x64xi32>
    %eq3A_16 = arith.cmpi eq, %eq3A_14, %eq3A_15 : vector<4096x64xi32>
    %ge3A = arith.constant 0 : i32
    %ge3A_17 = vector.broadcast %ge3A : i32 to vector<4096x1xi32>
    %ge3A_18 = arith.cmpi sge, %get3A_1, %ge3A_17 : vector<4096x1xi32>
    %and3A = vector.broadcast %ge3A_18 : vector<4096x1xi1> to vector<4096x64xi1>
    %and3A_19 = arith.andi %eq3A_16, %and3A : vector<4096x64xi1>
    %convert_element_type3A_20 = arith.extui %and3A_19 : vector<4096x64xi1> to vector<4096x64xi32>
    %convert_element_type3A_21 = arith.sitofp %convert_element_type3A_20 : vector<4096x64xi32> to vector<4096x64xf32>
    %ge3A_22 = arith.constant 0 : i32
    %ge3A_23 = vector.broadcast %ge3A_22 : i32 to vector<4096x1xi32>
    %ge3A_24 = arith.cmpi sge, %get3A_1, %ge3A_23 : vector<4096x1xi32>
    %convert_element_type3A_25 = arith.extui %ge3A_24 : vector<4096x1xi1> to vector<4096x1xi32>
    %convert_element_type3A_26 = arith.sitofp %convert_element_type3A_25 : vector<4096x1xi32> to vector<4096x1xf32>
    %iota3A = tpu.iota {dimensions = array<i32: 0>} : vector<128x4xi32>
    %iota3A_27 = tpu.iota {dimensions = array<i32: 1>} : vector<128x4xi32>
    %jit3A = arith.constant 32 : i32
    %div3A = vector.broadcast %jit3A : i32 to vector<128x4xi32>
    %div3A_28 = arith.divsi %iota3A, %div3A : vector<128x4xi32>
    %sign3A = arith.constant 0 : i32
    %sign3A_29 = vector.broadcast %sign3A : i32 to vector<128x4xi32>
    %sign3A_30 = arith.cmpi sgt, %iota3A, %sign3A_29 : vector<128x4xi32>
    %sign3A_31 = arith.extui %sign3A_30 : vector<128x4xi1> to vector<128x4xi32>
    %sign3A_32 = arith.constant 0 : i32
    %sign3A_33 = vector.broadcast %sign3A_32 : i32 to vector<128x4xi32>
    %sign3A_34 = arith.cmpi slt, %iota3A, %sign3A_33 : vector<128x4xi32>
    %sign3A_35 = arith.extui %sign3A_34 : vector<128x4xi1> to vector<128x4xi32>
    %sign3A_36 = arith.subi %sign3A_31, %sign3A_35 : vector<128x4xi32>
    %sign3A_37 = arith.constant 0 : i32
    %sign3A_38 = arith.cmpi sgt, %jit3A, %sign3A_37 : i32
    %sign3A_39 = arith.extui %sign3A_38 : i1 to i32
    %sign3A_40 = arith.constant 0 : i32
    %sign3A_41 = arith.cmpi slt, %jit3A, %sign3A_40 : i32
    %sign3A_42 = arith.extui %sign3A_41 : i1 to i32
    %sign3A_43 = arith.subi %sign3A_39, %sign3A_42 : i32
    %ne3A = vector.broadcast %sign3A_43 : i32 to vector<128x4xi32>
    %ne3A_44 = arith.cmpi ne, %sign3A_36, %ne3A : vector<128x4xi32>
    %rem3A = vector.broadcast %jit3A : i32 to vector<128x4xi32>
    %rem3A_45 = arith.remsi %iota3A, %rem3A : vector<128x4xi32>
    %ne3A_46 = arith.constant 0 : i32
    %ne3A_47 = vector.broadcast %ne3A_46 : i32 to vector<128x4xi32>
    %ne3A_48 = arith.cmpi ne, %rem3A_45, %ne3A_47 : vector<128x4xi32>
    %and3A_49 = arith.andi %ne3A_44, %ne3A_48 : vector<128x4xi1>
    %sub3A = arith.constant 1 : i32
    %sub3A_50 = vector.broadcast %sub3A : i32 to vector<128x4xi32>
    %sub3A_51 = arith.subi %div3A_28, %sub3A_50 : vector<128x4xi32>
    %select_n3A = arith.select %and3A_49, %sub3A_51, %div3A_28 : vector<128x4xi1>, vector<128x4xi32>
    %eq3A_52 = arith.cmpi eq, %select_n3A, %iota3A_27 : vector<128x4xi32>
    %convert_element_type3A_53 = arith.extui %eq3A_52 : vector<128x4xi1> to vector<128x4xi32>
    %convert_element_type3A_54 = arith.sitofp %convert_element_type3A_53 : vector<128x4xi32> to vector<128x4xf32>
    %iota3A_55 = tpu.iota {dimensions = array<i32: 0>} : vector<4x128xi32>
    %iota3A_56 = tpu.iota {dimensions = array<i32: 1>} : vector<4x128xi32>
    %jit3A_57 = arith.constant 32 : i32
    %div3A_58 = vector.broadcast %jit3A_57 : i32 to vector<4x128xi32>
    %div3A_59 = arith.divsi %iota3A_56, %div3A_58 : vector<4x128xi32>
    %sign3A_60 = arith.constant 0 : i32
    %sign3A_61 = vector.broadcast %sign3A_60 : i32 to vector<4x128xi32>
    %sign3A_62 = arith.cmpi sgt, %iota3A_56, %sign3A_61 : vector<4x128xi32>
    %sign3A_63 = arith.extui %sign3A_62 : vector<4x128xi1> to vector<4x128xi32>
    %sign3A_64 = arith.constant 0 : i32
    %sign3A_65 = vector.broadcast %sign3A_64 : i32 to vector<4x128xi32>
    %sign3A_66 = arith.cmpi slt, %iota3A_56, %sign3A_65 : vector<4x128xi32>
    %sign3A_67 = arith.extui %sign3A_66 : vector<4x128xi1> to vector<4x128xi32>
    %sign3A_68 = arith.subi %sign3A_63, %sign3A_67 : vector<4x128xi32>
    %sign3A_69 = arith.constant 0 : i32
    %sign3A_70 = arith.cmpi sgt, %jit3A_57, %sign3A_69 : i32
    %sign3A_71 = arith.extui %sign3A_70 : i1 to i32
    %sign3A_72 = arith.constant 0 : i32
    %sign3A_73 = arith.cmpi slt, %jit3A_57, %sign3A_72 : i32
    %sign3A_74 = arith.extui %sign3A_73 : i1 to i32
    %sign3A_75 = arith.subi %sign3A_71, %sign3A_74 : i32
    %ne3A_76 = vector.broadcast %sign3A_75 : i32 to vector<4x128xi32>
    %ne3A_77 = arith.cmpi ne, %sign3A_68, %ne3A_76 : vector<4x128xi32>
    %rem3A_78 = vector.broadcast %jit3A_57 : i32 to vector<4x128xi32>
    %rem3A_79 = arith.remsi %iota3A_56, %rem3A_78 : vector<4x128xi32>
    %ne3A_80 = arith.constant 0 : i32
    %ne3A_81 = vector.broadcast %ne3A_80 : i32 to vector<4x128xi32>
    %ne3A_82 = arith.cmpi ne, %rem3A_79, %ne3A_81 : vector<4x128xi32>
    %and3A_83 = arith.andi %ne3A_77, %ne3A_82 : vector<4x128xi1>
    %sub3A_84 = arith.constant 1 : i32
    %sub3A_85 = vector.broadcast %sub3A_84 : i32 to vector<4x128xi32>
    %sub3A_86 = arith.subi %div3A_59, %sub3A_85 : vector<4x128xi32>
    %select_n3A_87 = arith.select %and3A_83, %sub3A_86, %div3A_59 : vector<4x128xi1>, vector<4x128xi32>
    %eq3A_88 = arith.cmpi eq, %select_n3A_87, %iota3A_55 : vector<4x128xi32>
    %convert_element_type3A_89 = arith.extui %eq3A_88 : vector<4x128xi1> to vector<4x128xi32>
    %convert_element_type3A_90 = arith.sitofp %convert_element_type3A_89 : vector<4x128xi32> to vector<4x128xf32>
    %get3A_91 = arith.constant 0 : index
    %get3A_92 = arith.constant 0 : index
    %get3A_93 = vector.load %arg0[%get3A_91, %get3A_92] : memref<4096x128xf32, #tpu.memory_space<vmem>>, vector<4096x128xf32>
    %get3A_94 = arith.constant 0 : index
    %get3A_95 = arith.constant 0 : index
    %get3A_96 = vector.load %arg6[%get3A_94, %get3A_95] : memref<128x128xf32, #tpu.memory_space<vmem>>, vector<128x128xf32>
    %dot_general3A = arith.constant dense<0.000000e+00> : vector<4096x128xf32>
    %dot_general3A_97 = tpu.matmul %get3A_93, %get3A_96, %dot_general3A {dimension_numbers = #tpu.dot_dimension_numbers<[1], [1], [0], [0], [0, 0, 1, 0], [], []>, transpose_lhs_hint = false} : vector<4096x128xf32>, vector<128x128xf32>, vector<4096x128xf32> -> vector<4096x128xf32>
    %get3A_98 = arith.constant 0 : index
    %get3A_99 = vector.load %arg7[%get3A_98] : memref<128xf32, #tpu.memory_space<vmem>>, vector<128xf32>
    %broadcast_in_dim3A = vector.shape_cast %get3A_99 : vector<128xf32> to vector<1x128xf32>
    %add3A = vector.broadcast %broadcast_in_dim3A : vector<1x128xf32> to vector<4096x128xf32>
    %add3A_100 = arith.addf %dot_general3A_97, %add3A : vector<4096x128xf32>
    %get3A_101 = arith.constant 0 : index
    %get3A_102 = arith.constant 0 : index
    %get3A_103 = vector.load %arg1[%get3A_101, %get3A_102] : memref<64x128xf32, #tpu.memory_space<vmem>>, vector<64x128xf32>
    %get3A_104 = arith.constant 0 : index
    %get3A_105 = arith.constant 0 : index
    %get3A_106 = vector.load %arg6[%get3A_104, %get3A_105] : memref<128x128xf32, #tpu.memory_space<vmem>>, vector<128x128xf32>
    %dot_general3A_107 = arith.constant dense<0.000000e+00> : vector<64x128xf32>
    %dot_general3A_108 = tpu.matmul %get3A_103, %get3A_106, %dot_general3A_107 {dimension_numbers = #tpu.dot_dimension_numbers<[1], [1], [0], [0], [0, 0, 1, 0], [], []>, transpose_lhs_hint = false} : vector<64x128xf32>, vector<128x128xf32>, vector<64x128xf32> -> vector<64x128xf32>
    %get3A_109 = arith.constant 0 : index
    %get3A_110 = vector.load %arg7[%get3A_109] : memref<128xf32, #tpu.memory_space<vmem>>, vector<128xf32>
    %broadcast_in_dim3A_111 = vector.shape_cast %get3A_110 : vector<128xf32> to vector<1x128xf32>
    %add3A_112 = vector.broadcast %broadcast_in_dim3A_111 : vector<1x128xf32> to vector<64x128xf32>
    %add3A_113 = arith.addf %dot_general3A_108, %add3A_112 : vector<64x128xf32>
    %reduce_sum3A = arith.constant dense<0.000000e+00> : vector<4096xf32>
    %reduce_sum3A_114 = vector.multi_reduction <add>, %convert_element_type3A_13, %reduce_sum3A [1] : vector<4096x64xf32> to vector<4096xf32>
    %broadcast_in_dim3A_115 = vector.shape_cast %reduce_sum3A_114 : vector<4096xf32> to vector<4096x1xf32>
    %max3A = arith.constant 1.000000e+00 : f32
    %max3A_116 = vector.broadcast %max3A : f32 to vector<4096x1xf32>
    %max3A_117 = arith.maximumf %broadcast_in_dim3A_115, %max3A_116 : vector<4096x1xf32>
    %reduce_sum3A_118 = arith.constant dense<0.000000e+00> : vector<4096xf32>
    %reduce_sum3A_119 = vector.multi_reduction <add>, %convert_element_type3A_21, %reduce_sum3A_118 [1] : vector<4096x64xf32> to vector<4096xf32>
    %broadcast_in_dim3A_120 = vector.shape_cast %reduce_sum3A_119 : vector<4096xf32> to vector<4096x1xf32>
    %max3A_121 = arith.constant 1.000000e+00 : f32
    %max3A_122 = vector.broadcast %max3A_121 : f32 to vector<4096x1xf32>
    %max3A_123 = arith.maximumf %broadcast_in_dim3A_120, %max3A_122 : vector<4096x1xf32>
    %get3A_124 = arith.constant 0 : index
    %get3A_125 = arith.constant 0 : index
    %get3A_126 = vector.load %arg8[%get3A_124, %get3A_125] : memref<128x128xf32, #tpu.memory_space<vmem>>, vector<128x128xf32>
    %dot_general3A_127 = arith.constant dense<0.000000e+00> : vector<4096x128xf32>
    %dot_general3A_128 = tpu.matmul %add3A_100, %get3A_126, %dot_general3A_127 {dimension_numbers = #tpu.dot_dimension_numbers<[1], [1], [0], [0], [0, 0, 1, 0], [], []>, transpose_lhs_hint = false} : vector<4096x128xf32>, vector<128x128xf32>, vector<4096x128xf32> -> vector<4096x128xf32>
    %get3A_129 = arith.constant 0 : index
    %get3A_130 = vector.load %arg9[%get3A_129] : memref<128xf32, #tpu.memory_space<vmem>>, vector<128xf32>
    %broadcast_in_dim3A_131 = vector.shape_cast %get3A_130 : vector<128xf32> to vector<1x128xf32>
    %add3A_132 = vector.broadcast %broadcast_in_dim3A_131 : vector<1x128xf32> to vector<4096x128xf32>
    %add3A_133 = arith.addf %dot_general3A_128, %add3A_132 : vector<4096x128xf32>
    %get3A_134 = arith.constant 0 : index
    %get3A_135 = arith.constant 0 : index
    %get3A_136 = vector.load %arg8[%get3A_134, %get3A_135] : memref<128x128xf32, #tpu.memory_space<vmem>>, vector<128x128xf32>
    %dot_general3A_137 = arith.constant dense<0.000000e+00> : vector<64x128xf32>
    %dot_general3A_138 = tpu.matmul %add3A_113, %get3A_136, %dot_general3A_137 {dimension_numbers = #tpu.dot_dimension_numbers<[1], [1], [0], [0], [0, 0, 1, 0], [], []>, transpose_lhs_hint = false} : vector<64x128xf32>, vector<128x128xf32>, vector<64x128xf32> -> vector<64x128xf32>
    %get3A_139 = arith.constant 0 : index
    %get3A_140 = vector.load %arg9[%get3A_139] : memref<128xf32, #tpu.memory_space<vmem>>, vector<128xf32>
    %broadcast_in_dim3A_141 = vector.shape_cast %get3A_140 : vector<128xf32> to vector<1x128xf32>
    %add3A_142 = vector.broadcast %broadcast_in_dim3A_141 : vector<1x128xf32> to vector<64x128xf32>
    %add3A_143 = arith.addf %dot_general3A_138, %add3A_142 : vector<64x128xf32>
    %get3A_144 = arith.constant 0 : index
    %get3A_145 = arith.constant 0 : index
    %get3A_146 = vector.load %arg10[%get3A_144, %get3A_145] : memref<128x1xf32, #tpu.memory_space<vmem>>, vector<128x1xf32>
    %dot_general3A_147 = arith.constant dense<0.000000e+00> : vector<4096x128xf32>
    %dot_general3A_148 = tpu.matmul %get3A_7, %get3A_146, %dot_general3A_147 {dimension_numbers = #tpu.dot_dimension_numbers<[1], [1], [0], [0], [0, 0, 1, 0], [], []>, transpose_lhs_hint = false} : vector<4096x1xf32>, vector<128x1xf32>, vector<4096x128xf32> -> vector<4096x128xf32>
    %get3A_149 = arith.constant 0 : index
    %get3A_150 = vector.load %arg11[%get3A_149] : memref<128xf32, #tpu.memory_space<vmem>>, vector<128xf32>
    %broadcast_in_dim3A_151 = vector.shape_cast %get3A_150 : vector<128xf32> to vector<1x128xf32>
    %add3A_152 = vector.broadcast %broadcast_in_dim3A_151 : vector<1x128xf32> to vector<4096x128xf32>
    %add3A_153 = arith.addf %dot_general3A_148, %add3A_152 : vector<4096x128xf32>
    %max3A_154 = arith.constant 0.000000e+00 : f32
    %max3A_155 = vector.broadcast %max3A_154 : f32 to vector<4096x128xf32>
    %max3A_156 = arith.maximumf %add3A_153, %max3A_155 : vector<4096x128xf32>
    %get3A_157 = arith.constant 0 : index
    %get3A_158 = arith.constant 0 : index
    %get3A_159 = vector.load %arg12[%get3A_157, %get3A_158] : memref<128x128xf32, #tpu.memory_space<vmem>>, vector<128x128xf32>
    %dot_general3A_160 = arith.constant dense<0.000000e+00> : vector<4096x128xf32>
    %dot_general3A_161 = tpu.matmul %max3A_156, %get3A_159, %dot_general3A_160 {dimension_numbers = #tpu.dot_dimension_numbers<[1], [1], [0], [0], [0, 0, 1, 0], [], []>, transpose_lhs_hint = false} : vector<4096x128xf32>, vector<128x128xf32>, vector<4096x128xf32> -> vector<4096x128xf32>
    %get3A_162 = arith.constant 0 : index
    %get3A_163 = vector.load %arg13[%get3A_162] : memref<128xf32, #tpu.memory_space<vmem>>, vector<128xf32>
    %broadcast_in_dim3A_164 = vector.shape_cast %get3A_163 : vector<128xf32> to vector<1x128xf32>
    %add3A_165 = vector.broadcast %broadcast_in_dim3A_164 : vector<1x128xf32> to vector<4096x128xf32>
    %add3A_166 = arith.addf %dot_general3A_161, %add3A_165 : vector<4096x128xf32>
    %add3A_167 = arith.addf %add3A_133, %add3A_166 : vector<4096x128xf32>
    %get3A_168 = arith.constant 0 : index
    %get3A_169 = arith.constant 0 : index
    %get3A_170 = vector.load %arg14[%get3A_168, %get3A_169] : memref<384x128xf32, #tpu.memory_space<vmem>>, vector<384x128xf32>
    %get3A_171 = arith.constant 0 : index
    %get3A_172 = vector.load %arg15[%get3A_171] : memref<384xf32, #tpu.memory_space<vmem>>, vector<384xf32>
    %slice3A = vector.extract_strided_slice %get3A_170 {offsets = [0, 0], sizes = [128, 128], strides = [1, 1]} : vector<384x128xf32> to vector<128x128xf32>
    %dot_general3A_173 = arith.constant dense<0.000000e+00> : vector<64x128xf32>
    %dot_general3A_174 = tpu.matmul %add3A_143, %slice3A, %dot_general3A_173 {dimension_numbers = #tpu.dot_dimension_numbers<[1], [1], [0], [0], [0, 0, 1, 0], [], []>, transpose_lhs_hint = false} : vector<64x128xf32>, vector<128x128xf32>, vector<64x128xf32> -> vector<64x128xf32>
    %slice3A_175 = vector.extract_strided_slice %get3A_172 {offsets = [0], sizes = [128], strides = [1]} : vector<384xf32> to vector<128xf32>
    %broadcast_in_dim3A_176 = vector.shape_cast %slice3A_175 : vector<128xf32> to vector<1x128xf32>
    %add3A_177 = vector.broadcast %broadcast_in_dim3A_176 : vector<1x128xf32> to vector<64x128xf32>
    %add3A_178 = arith.addf %dot_general3A_174, %add3A_177 : vector<64x128xf32>
    %slice3A_179 = vector.extract_strided_slice %get3A_170 {offsets = [128, 0], sizes = [128, 128], strides = [1, 1]} : vector<384x128xf32> to vector<128x128xf32>
    %dot_general3A_180 = arith.constant dense<0.000000e+00> : vector<4096x128xf32>
    %dot_general3A_181 = tpu.matmul %add3A_167, %slice3A_179, %dot_general3A_180 {dimension_numbers = #tpu.dot_dimension_numbers<[1], [1], [0], [0], [0, 0, 1, 0], [], []>, transpose_lhs_hint = false} : vector<4096x128xf32>, vector<128x128xf32>, vector<4096x128xf32> -> vector<4096x128xf32>
    %slice3A_182 = vector.extract_strided_slice %get3A_172 {offsets = [128], sizes = [128], strides = [1]} : vector<384xf32> to vector<128xf32>
    %broadcast_in_dim3A_183 = vector.shape_cast %slice3A_182 : vector<128xf32> to vector<1x128xf32>
    %add3A_184 = vector.broadcast %broadcast_in_dim3A_183 : vector<1x128xf32> to vector<4096x128xf32>
    %add3A_185 = arith.addf %dot_general3A_181, %add3A_184 : vector<4096x128xf32>
    %slice3A_186 = vector.extract_strided_slice %get3A_170 {offsets = [256, 0], sizes = [128, 128], strides = [1, 1]} : vector<384x128xf32> to vector<128x128xf32>
    %dot_general3A_187 = arith.constant dense<0.000000e+00> : vector<4096x128xf32>
    %dot_general3A_188 = tpu.matmul %add3A_167, %slice3A_186, %dot_general3A_187 {dimension_numbers = #tpu.dot_dimension_numbers<[1], [1], [0], [0], [0, 0, 1, 0], [], []>, transpose_lhs_hint = false} : vector<4096x128xf32>, vector<128x128xf32>, vector<4096x128xf32> -> vector<4096x128xf32>
    %slice3A_189 = vector.extract_strided_slice %get3A_172 {offsets = [256], sizes = [128], strides = [1]} : vector<384xf32> to vector<128xf32>
    %broadcast_in_dim3A_190 = vector.shape_cast %slice3A_189 : vector<128xf32> to vector<1x128xf32>
    %add3A_191 = vector.broadcast %broadcast_in_dim3A_190 : vector<1x128xf32> to vector<4096x128xf32>
    %add3A_192 = arith.addf %dot_general3A_188, %add3A_191 : vector<4096x128xf32>
    %dot_general3A_193 = arith.constant dense<0.000000e+00> : vector<4096x128xf32>
    %dot_general3A_194 = tpu.matmul %convert_element_type3A_13, %add3A_178, %dot_general3A_193 {dimension_numbers = #tpu.dot_dimension_numbers<[1], [0], [0], [1], [0, 0, 1, 1], [], []>, transpose_lhs_hint = false} : vector<4096x64xf32>, vector<64x128xf32>, vector<4096x128xf32> -> vector<4096x128xf32>
    %div3A_195 = vector.broadcast %max3A_117 : vector<4096x1xf32> to vector<4096x128xf32>
    %div3A_196 = arith.divf %dot_general3A_194, %div3A_195 : vector<4096x128xf32>
    %mul3A = arith.mulf %div3A_196, %add3A_185 : vector<4096x128xf32>
    %dot_general3A_197 = arith.constant dense<0.000000e+00> : vector<4096x4xf32>
    %dot_general3A_198 = tpu.matmul %mul3A, %convert_element_type3A_54, %dot_general3A_197 {dimension_numbers = #tpu.dot_dimension_numbers<[1], [0], [0], [1], [0, 0, 1, 1], [], []>, transpose_lhs_hint = false} : vector<4096x128xf32>, vector<128x4xf32>, vector<4096x4xf32> -> vector<4096x4xf32>
    %mul3A_199 = arith.constant 0.176776692 : f32
    %mul3A_200 = vector.broadcast %mul3A_199 : f32 to vector<4096x4xf32>
    %mul3A_201 = arith.mulf %dot_general3A_198, %mul3A_200 : vector<4096x4xf32>
    %exp3A = math.exp %mul3A_201 : vector<4096x4xf32>
    %mul3A_202 = vector.broadcast %convert_element_type3A_26 : vector<4096x1xf32> to vector<4096x4xf32>
    %mul3A_203 = arith.mulf %exp3A, %mul3A_202 : vector<4096x4xf32>
    %dot_general3A_204 = arith.constant dense<0.000000e+00> : vector<64x4xf32>
    %dot_general3A_205 = tpu.matmul %convert_element_type3A_13, %mul3A_203, %dot_general3A_204 {dimension_numbers = #tpu.dot_dimension_numbers<[0], [0], [1], [1], [0, 1, 1, 1], [], []>, transpose_lhs_hint = false} : vector<4096x64xf32>, vector<4096x4xf32>, vector<64x4xf32> -> vector<64x4xf32>
    %dot_general3A_206 = arith.constant dense<0.000000e+00> : vector<4096x128xf32>
    %dot_general3A_207 = tpu.matmul %mul3A_203, %convert_element_type3A_90, %dot_general3A_206 {dimension_numbers = #tpu.dot_dimension_numbers<[1], [0], [0], [1], [0, 0, 1, 1], [], []>, transpose_lhs_hint = false} : vector<4096x4xf32>, vector<4x128xf32>, vector<4096x128xf32> -> vector<4096x128xf32>
    %mul3A_208 = arith.mulf %dot_general3A_207, %add3A_192 : vector<4096x128xf32>
    %dot_general3A_209 = arith.constant dense<0.000000e+00> : vector<64x128xf32>
    %dot_general3A_210 = tpu.matmul %convert_element_type3A_13, %mul3A_208, %dot_general3A_209 {dimension_numbers = #tpu.dot_dimension_numbers<[0], [0], [1], [1], [0, 1, 1, 1], [], []>, transpose_lhs_hint = false} : vector<4096x64xf32>, vector<4096x128xf32>, vector<64x128xf32> -> vector<64x128xf32>
    %dot_general3A_211 = arith.constant dense<0.000000e+00> : vector<64x128xf32>
    %dot_general3A_212 = tpu.matmul %dot_general3A_205, %convert_element_type3A_90, %dot_general3A_211 {dimension_numbers = #tpu.dot_dimension_numbers<[1], [0], [0], [1], [0, 0, 1, 1], [], []>, transpose_lhs_hint = false} : vector<64x4xf32>, vector<4x128xf32>, vector<64x128xf32> -> vector<64x128xf32>
    %gt3A = arith.constant 0.000000e+00 : f32
    %gt3A_213 = vector.broadcast %gt3A : f32 to vector<64x128xf32>
    %gt3A_214 = arith.cmpf ogt, %dot_general3A_212, %gt3A_213 : vector<64x128xf32>
    %jit3A_215 = arith.constant 1.000000e+00 : f32
    %broadcast_in_dim3A_216 = vector.broadcast %jit3A_215 : f32 to vector<64x128xf32>
    %select_n3A_217 = arith.select %gt3A_214, %dot_general3A_212, %broadcast_in_dim3A_216 : vector<64x128xi1>, vector<64x128xf32>
    %div3A_218 = arith.divf %dot_general3A_210, %select_n3A_217 : vector<64x128xf32>
    %get3A_219 = arith.constant 0 : index
    %get3A_220 = arith.constant 0 : index
    %get3A_221 = vector.load %arg16[%get3A_219, %get3A_220] : memref<128x128xf32, #tpu.memory_space<vmem>>, vector<128x128xf32>
    %dot_general3A_222 = arith.constant dense<0.000000e+00> : vector<64x128xf32>
    %dot_general3A_223 = tpu.matmul %div3A_218, %get3A_221, %dot_general3A_222 {dimension_numbers = #tpu.dot_dimension_numbers<[1], [1], [0], [0], [0, 0, 1, 0], [], []>, transpose_lhs_hint = false} : vector<64x128xf32>, vector<128x128xf32>, vector<64x128xf32> -> vector<64x128xf32>
    %get3A_224 = arith.constant 0 : index
    %get3A_225 = vector.load %arg17[%get3A_224] : memref<128xf32, #tpu.memory_space<vmem>>, vector<128xf32>
    %broadcast_in_dim3A_226 = vector.shape_cast %get3A_225 : vector<128xf32> to vector<1x128xf32>
    %add3A_227 = vector.broadcast %broadcast_in_dim3A_226 : vector<1x128xf32> to vector<64x128xf32>
    %add3A_228 = arith.addf %dot_general3A_223, %add3A_227 : vector<64x128xf32>
    %slice3A_229 = vector.extract_strided_slice %dot_general3A_212 {offsets = [0, 0], sizes = [64, 1], strides = [1, 1]} : vector<64x128xf32> to vector<64x1xf32>
    %gt3A_230 = arith.constant 0.000000e+00 : f32
    %gt3A_231 = vector.broadcast %gt3A_230 : f32 to vector<64x1xf32>
    %gt3A_232 = arith.cmpf ogt, %slice3A_229, %gt3A_231 : vector<64x1xf32>
    %broadcast_in_dim3A_233 = vector.shape_cast %gt3A_232 : vector<64x1xi1> to vector<64x1xi1>
    %broadcast_in_dim3A_234 = vector.broadcast %broadcast_in_dim3A_233 : vector<64x1xi1> to vector<64x128xi1>
    %select_n3A_235 = arith.select %broadcast_in_dim3A_234, %add3A_228, %add3A_143 : vector<64x128xi1>, vector<64x128xf32>
    %get3A_236 = arith.constant 0 : index
    %get3A_237 = arith.constant 0 : index
    %get3A_238 = vector.load %arg18[%get3A_236, %get3A_237] : memref<128x128xf32, #tpu.memory_space<vmem>>, vector<128x128xf32>
    %dot_general3A_239 = arith.constant dense<0.000000e+00> : vector<64x128xf32>
    %dot_general3A_240 = tpu.matmul %select_n3A_235, %get3A_238, %dot_general3A_239 {dimension_numbers = #tpu.dot_dimension_numbers<[1], [1], [0], [0], [0, 0, 1, 0], [], []>, transpose_lhs_hint = false} : vector<64x128xf32>, vector<128x128xf32>, vector<64x128xf32> -> vector<64x128xf32>
    %get3A_241 = arith.constant 0 : index
    %get3A_242 = vector.load %arg19[%get3A_241] : memref<128xf32, #tpu.memory_space<vmem>>, vector<128xf32>
    %broadcast_in_dim3A_243 = vector.shape_cast %get3A_242 : vector<128xf32> to vector<1x128xf32>
    %add3A_244 = vector.broadcast %broadcast_in_dim3A_243 : vector<1x128xf32> to vector<64x128xf32>
    %add3A_245 = arith.addf %dot_general3A_240, %add3A_244 : vector<64x128xf32>
    %max3A_246 = arith.constant 0.000000e+00 : f32
    %max3A_247 = vector.broadcast %max3A_246 : f32 to vector<64x128xf32>
    %max3A_248 = arith.maximumf %add3A_245, %max3A_247 : vector<64x128xf32>
    %dot_general3A_249 = arith.constant dense<0.000000e+00> : vector<4096x128xf32>
    %dot_general3A_250 = tpu.matmul %convert_element_type3A_21, %max3A_248, %dot_general3A_249 {dimension_numbers = #tpu.dot_dimension_numbers<[1], [0], [0], [1], [0, 0, 1, 1], [], []>, transpose_lhs_hint = false} : vector<4096x64xf32>, vector<64x128xf32>, vector<4096x128xf32> -> vector<4096x128xf32>
    %div3A_251 = vector.broadcast %max3A_123 : vector<4096x1xf32> to vector<4096x128xf32>
    %div3A_252 = arith.divf %dot_general3A_250, %div3A_251 : vector<4096x128xf32>
    %gt3A_253 = arith.constant 0.000000e+00 : f32
    %gt3A_254 = vector.broadcast %gt3A_253 : f32 to vector<4096x1xf32>
    %gt3A_255 = arith.cmpf ogt, %broadcast_in_dim3A_120, %gt3A_254 : vector<4096x1xf32>
    %max3A_256 = arith.constant 0.000000e+00 : f32
    %max3A_257 = vector.broadcast %max3A_256 : f32 to vector<4096x128xf32>
    %max3A_258 = arith.maximumf %add3A_100, %max3A_257 : vector<4096x128xf32>
    %broadcast_in_dim3A_259 = vector.shape_cast %gt3A_255 : vector<4096x1xi1> to vector<4096x1xi1>
    %broadcast_in_dim3A_260 = vector.broadcast %broadcast_in_dim3A_259 : vector<4096x1xi1> to vector<4096x128xi1>
    %select_n3A_261 = arith.select %broadcast_in_dim3A_260, %div3A_252, %max3A_258 : vector<4096x128xi1>, vector<4096x128xf32>
    %get3A_262 = arith.constant 0 : index
    %get3A_263 = arith.constant 0 : index
    %get3A_264 = vector.load %arg20[%get3A_262, %get3A_263] : memref<128x128xf32, #tpu.memory_space<vmem>>, vector<128x128xf32>
    %dot_general3A_265 = arith.constant dense<0.000000e+00> : vector<4096x128xf32>
    %dot_general3A_266 = tpu.matmul %select_n3A_261, %get3A_264, %dot_general3A_265 {dimension_numbers = #tpu.dot_dimension_numbers<[1], [1], [0], [0], [0, 0, 1, 0], [], []>, transpose_lhs_hint = false} : vector<4096x128xf32>, vector<128x128xf32>, vector<4096x128xf32> -> vector<4096x128xf32>
    %get3A_267 = arith.constant 0 : index
    %get3A_268 = vector.load %arg21[%get3A_267] : memref<128xf32, #tpu.memory_space<vmem>>, vector<128xf32>
    %broadcast_in_dim3A_269 = vector.shape_cast %get3A_268 : vector<128xf32> to vector<1x128xf32>
    %add3A_270 = vector.broadcast %broadcast_in_dim3A_269 : vector<1x128xf32> to vector<4096x128xf32>
    %add3A_271 = arith.addf %dot_general3A_266, %add3A_270 : vector<4096x128xf32>
    %get3A_272 = arith.constant 0 : index
    %get3A_273 = arith.constant 0 : index
    %get3A_274 = vector.load %arg20[%get3A_272, %get3A_273] : memref<128x128xf32, #tpu.memory_space<vmem>>, vector<128x128xf32>
    %dot_general3A_275 = arith.constant dense<0.000000e+00> : vector<64x128xf32>
    %dot_general3A_276 = tpu.matmul %max3A_248, %get3A_274, %dot_general3A_275 {dimension_numbers = #tpu.dot_dimension_numbers<[1], [1], [0], [0], [0, 0, 1, 0], [], []>, transpose_lhs_hint = false} : vector<64x128xf32>, vector<128x128xf32>, vector<64x128xf32> -> vector<64x128xf32>
    %get3A_277 = arith.constant 0 : index
    %get3A_278 = vector.load %arg21[%get3A_277] : memref<128xf32, #tpu.memory_space<vmem>>, vector<128xf32>
    %broadcast_in_dim3A_279 = vector.shape_cast %get3A_278 : vector<128xf32> to vector<1x128xf32>
    %add3A_280 = vector.broadcast %broadcast_in_dim3A_279 : vector<1x128xf32> to vector<64x128xf32>
    %add3A_281 = arith.addf %dot_general3A_276, %add3A_280 : vector<64x128xf32>
    %get3A_282 = arith.constant 0 : index
    %get3A_283 = arith.constant 0 : index
    %get3A_284 = vector.load %arg22[%get3A_282, %get3A_283] : memref<128x1xf32, #tpu.memory_space<vmem>>, vector<128x1xf32>
    %dot_general3A_285 = arith.constant dense<0.000000e+00> : vector<4096x128xf32>
    %dot_general3A_286 = tpu.matmul %get3A_7, %get3A_284, %dot_general3A_285 {dimension_numbers = #tpu.dot_dimension_numbers<[1], [1], [0], [0], [0, 0, 1, 0], [], []>, transpose_lhs_hint = false} : vector<4096x1xf32>, vector<128x1xf32>, vector<4096x128xf32> -> vector<4096x128xf32>
    %get3A_287 = arith.constant 0 : index
    %get3A_288 = vector.load %arg23[%get3A_287] : memref<128xf32, #tpu.memory_space<vmem>>, vector<128xf32>
    %broadcast_in_dim3A_289 = vector.shape_cast %get3A_288 : vector<128xf32> to vector<1x128xf32>
    %add3A_290 = vector.broadcast %broadcast_in_dim3A_289 : vector<1x128xf32> to vector<4096x128xf32>
    %add3A_291 = arith.addf %dot_general3A_286, %add3A_290 : vector<4096x128xf32>
    %max3A_292 = arith.constant 0.000000e+00 : f32
    %max3A_293 = vector.broadcast %max3A_292 : f32 to vector<4096x128xf32>
    %max3A_294 = arith.maximumf %add3A_291, %max3A_293 : vector<4096x128xf32>
    %get3A_295 = arith.constant 0 : index
    %get3A_296 = arith.constant 0 : index
    %get3A_297 = vector.load %arg24[%get3A_295, %get3A_296] : memref<128x128xf32, #tpu.memory_space<vmem>>, vector<128x128xf32>
    %dot_general3A_298 = arith.constant dense<0.000000e+00> : vector<4096x128xf32>
    %dot_general3A_299 = tpu.matmul %max3A_294, %get3A_297, %dot_general3A_298 {dimension_numbers = #tpu.dot_dimension_numbers<[1], [1], [0], [0], [0, 0, 1, 0], [], []>, transpose_lhs_hint = false} : vector<4096x128xf32>, vector<128x128xf32>, vector<4096x128xf32> -> vector<4096x128xf32>
    %get3A_300 = arith.constant 0 : index
    %get3A_301 = vector.load %arg25[%get3A_300] : memref<128xf32, #tpu.memory_space<vmem>>, vector<128xf32>
    %broadcast_in_dim3A_302 = vector.shape_cast %get3A_301 : vector<128xf32> to vector<1x128xf32>
    %add3A_303 = vector.broadcast %broadcast_in_dim3A_302 : vector<1x128xf32> to vector<4096x128xf32>
    %add3A_304 = arith.addf %dot_general3A_299, %add3A_303 : vector<4096x128xf32>
    %add3A_305 = arith.addf %add3A_271, %add3A_304 : vector<4096x128xf32>
    %get3A_306 = arith.constant 0 : index
    %get3A_307 = arith.constant 0 : index
    %get3A_308 = vector.load %arg26[%get3A_306, %get3A_307] : memref<384x128xf32, #tpu.memory_space<vmem>>, vector<384x128xf32>
    %get3A_309 = arith.constant 0 : index
    %get3A_310 = vector.load %arg27[%get3A_309] : memref<384xf32, #tpu.memory_space<vmem>>, vector<384xf32>
    %slice3A_311 = vector.extract_strided_slice %get3A_308 {offsets = [0, 0], sizes = [128, 128], strides = [1, 1]} : vector<384x128xf32> to vector<128x128xf32>
    %dot_general3A_312 = arith.constant dense<0.000000e+00> : vector<64x128xf32>
    %dot_general3A_313 = tpu.matmul %add3A_281, %slice3A_311, %dot_general3A_312 {dimension_numbers = #tpu.dot_dimension_numbers<[1], [1], [0], [0], [0, 0, 1, 0], [], []>, transpose_lhs_hint = false} : vector<64x128xf32>, vector<128x128xf32>, vector<64x128xf32> -> vector<64x128xf32>
    %slice3A_314 = vector.extract_strided_slice %get3A_310 {offsets = [0], sizes = [128], strides = [1]} : vector<384xf32> to vector<128xf32>
    %broadcast_in_dim3A_315 = vector.shape_cast %slice3A_314 : vector<128xf32> to vector<1x128xf32>
    %add3A_316 = vector.broadcast %broadcast_in_dim3A_315 : vector<1x128xf32> to vector<64x128xf32>
    %add3A_317 = arith.addf %dot_general3A_313, %add3A_316 : vector<64x128xf32>
    %slice3A_318 = vector.extract_strided_slice %get3A_308 {offsets = [128, 0], sizes = [128, 128], strides = [1, 1]} : vector<384x128xf32> to vector<128x128xf32>
    %dot_general3A_319 = arith.constant dense<0.000000e+00> : vector<4096x128xf32>
    %dot_general3A_320 = tpu.matmul %add3A_305, %slice3A_318, %dot_general3A_319 {dimension_numbers = #tpu.dot_dimension_numbers<[1], [1], [0], [0], [0, 0, 1, 0], [], []>, transpose_lhs_hint = false} : vector<4096x128xf32>, vector<128x128xf32>, vector<4096x128xf32> -> vector<4096x128xf32>
    %slice3A_321 = vector.extract_strided_slice %get3A_310 {offsets = [128], sizes = [128], strides = [1]} : vector<384xf32> to vector<128xf32>
    %broadcast_in_dim3A_322 = vector.shape_cast %slice3A_321 : vector<128xf32> to vector<1x128xf32>
    %add3A_323 = vector.broadcast %broadcast_in_dim3A_322 : vector<1x128xf32> to vector<4096x128xf32>
    %add3A_324 = arith.addf %dot_general3A_320, %add3A_323 : vector<4096x128xf32>
    %slice3A_325 = vector.extract_strided_slice %get3A_308 {offsets = [256, 0], sizes = [128, 128], strides = [1, 1]} : vector<384x128xf32> to vector<128x128xf32>
    %dot_general3A_326 = arith.constant dense<0.000000e+00> : vector<4096x128xf32>
    %dot_general3A_327 = tpu.matmul %add3A_305, %slice3A_325, %dot_general3A_326 {dimension_numbers = #tpu.dot_dimension_numbers<[1], [1], [0], [0], [0, 0, 1, 0], [], []>, transpose_lhs_hint = false} : vector<4096x128xf32>, vector<128x128xf32>, vector<4096x128xf32> -> vector<4096x128xf32>
    %slice3A_328 = vector.extract_strided_slice %get3A_310 {offsets = [256], sizes = [128], strides = [1]} : vector<384xf32> to vector<128xf32>
    %broadcast_in_dim3A_329 = vector.shape_cast %slice3A_328 : vector<128xf32> to vector<1x128xf32>
    %add3A_330 = vector.broadcast %broadcast_in_dim3A_329 : vector<1x128xf32> to vector<4096x128xf32>
    %add3A_331 = arith.addf %dot_general3A_327, %add3A_330 : vector<4096x128xf32>
    %dot_general3A_332 = arith.constant dense<0.000000e+00> : vector<4096x128xf32>
    %dot_general3A_333 = tpu.matmul %convert_element_type3A_13, %add3A_317, %dot_general3A_332 {dimension_numbers = #tpu.dot_dimension_numbers<[1], [0], [0], [1], [0, 0, 1, 1], [], []>, transpose_lhs_hint = false} : vector<4096x64xf32>, vector<64x128xf32>, vector<4096x128xf32> -> vector<4096x128xf32>
    %div3A_334 = vector.broadcast %max3A_117 : vector<4096x1xf32> to vector<4096x128xf32>
    %div3A_335 = arith.divf %dot_general3A_333, %div3A_334 : vector<4096x128xf32>
    %mul3A_336 = arith.mulf %div3A_335, %add3A_324 : vector<4096x128xf32>
    %dot_general3A_337 = arith.constant dense<0.000000e+00> : vector<4096x4xf32>
    %dot_general3A_338 = tpu.matmul %mul3A_336, %convert_element_type3A_54, %dot_general3A_337 {dimension_numbers = #tpu.dot_dimension_numbers<[1], [0], [0], [1], [0, 0, 1, 1], [], []>, transpose_lhs_hint = false} : vector<4096x128xf32>, vector<128x4xf32>, vector<4096x4xf32> -> vector<4096x4xf32>
    %mul3A_339 = arith.constant 0.176776692 : f32
    %mul3A_340 = vector.broadcast %mul3A_339 : f32 to vector<4096x4xf32>
    %mul3A_341 = arith.mulf %dot_general3A_338, %mul3A_340 : vector<4096x4xf32>
    %exp3A_342 = math.exp %mul3A_341 : vector<4096x4xf32>
    %mul3A_343 = vector.broadcast %convert_element_type3A_26 : vector<4096x1xf32> to vector<4096x4xf32>
    %mul3A_344 = arith.mulf %exp3A_342, %mul3A_343 : vector<4096x4xf32>
    %dot_general3A_345 = arith.constant dense<0.000000e+00> : vector<64x4xf32>
    %dot_general3A_346 = tpu.matmul %convert_element_type3A_13, %mul3A_344, %dot_general3A_345 {dimension_numbers = #tpu.dot_dimension_numbers<[0], [0], [1], [1], [0, 1, 1, 1], [], []>, transpose_lhs_hint = false} : vector<4096x64xf32>, vector<4096x4xf32>, vector<64x4xf32> -> vector<64x4xf32>
    %dot_general3A_347 = arith.constant dense<0.000000e+00> : vector<4096x128xf32>
    %dot_general3A_348 = tpu.matmul %mul3A_344, %convert_element_type3A_90, %dot_general3A_347 {dimension_numbers = #tpu.dot_dimension_numbers<[1], [0], [0], [1], [0, 0, 1, 1], [], []>, transpose_lhs_hint = false} : vector<4096x4xf32>, vector<4x128xf32>, vector<4096x128xf32> -> vector<4096x128xf32>
    %mul3A_349 = arith.mulf %dot_general3A_348, %add3A_331 : vector<4096x128xf32>
    %dot_general3A_350 = arith.constant dense<0.000000e+00> : vector<64x128xf32>
    %dot_general3A_351 = tpu.matmul %convert_element_type3A_13, %mul3A_349, %dot_general3A_350 {dimension_numbers = #tpu.dot_dimension_numbers<[0], [0], [1], [1], [0, 1, 1, 1], [], []>, transpose_lhs_hint = false} : vector<4096x64xf32>, vector<4096x128xf32>, vector<64x128xf32> -> vector<64x128xf32>
    %dot_general3A_352 = arith.constant dense<0.000000e+00> : vector<64x128xf32>
    %dot_general3A_353 = tpu.matmul %dot_general3A_346, %convert_element_type3A_90, %dot_general3A_352 {dimension_numbers = #tpu.dot_dimension_numbers<[1], [0], [0], [1], [0, 0, 1, 1], [], []>, transpose_lhs_hint = false} : vector<64x4xf32>, vector<4x128xf32>, vector<64x128xf32> -> vector<64x128xf32>
    %gt3A_354 = arith.constant 0.000000e+00 : f32
    %gt3A_355 = vector.broadcast %gt3A_354 : f32 to vector<64x128xf32>
    %gt3A_356 = arith.cmpf ogt, %dot_general3A_353, %gt3A_355 : vector<64x128xf32>
    %jit3A_357 = arith.constant 1.000000e+00 : f32
    %broadcast_in_dim3A_358 = vector.broadcast %jit3A_357 : f32 to vector<64x128xf32>
    %select_n3A_359 = arith.select %gt3A_356, %dot_general3A_353, %broadcast_in_dim3A_358 : vector<64x128xi1>, vector<64x128xf32>
    %div3A_360 = arith.divf %dot_general3A_351, %select_n3A_359 : vector<64x128xf32>
    %get3A_361 = arith.constant 0 : index
    %get3A_362 = arith.constant 0 : index
    %get3A_363 = vector.load %arg28[%get3A_361, %get3A_362] : memref<128x128xf32, #tpu.memory_space<vmem>>, vector<128x128xf32>
    %dot_general3A_364 = arith.constant dense<0.000000e+00> : vector<64x128xf32>
    %dot_general3A_365 = tpu.matmul %div3A_360, %get3A_363, %dot_general3A_364 {dimension_numbers = #tpu.dot_dimension_numbers<[1], [1], [0], [0], [0, 0, 1, 0], [], []>, transpose_lhs_hint = false} : vector<64x128xf32>, vector<128x128xf32>, vector<64x128xf32> -> vector<64x128xf32>
    %get3A_366 = arith.constant 0 : index
    %get3A_367 = vector.load %arg29[%get3A_366] : memref<128xf32, #tpu.memory_space<vmem>>, vector<128xf32>
    %broadcast_in_dim3A_368 = vector.shape_cast %get3A_367 : vector<128xf32> to vector<1x128xf32>
    %add3A_369 = vector.broadcast %broadcast_in_dim3A_368 : vector<1x128xf32> to vector<64x128xf32>
    %add3A_370 = arith.addf %dot_general3A_365, %add3A_369 : vector<64x128xf32>
    %slice3A_371 = vector.extract_strided_slice %dot_general3A_353 {offsets = [0, 0], sizes = [64, 1], strides = [1, 1]} : vector<64x128xf32> to vector<64x1xf32>
    %gt3A_372 = arith.constant 0.000000e+00 : f32
    %gt3A_373 = vector.broadcast %gt3A_372 : f32 to vector<64x1xf32>
    %gt3A_374 = arith.cmpf ogt, %slice3A_371, %gt3A_373 : vector<64x1xf32>
    %broadcast_in_dim3A_375 = vector.shape_cast %gt3A_374 : vector<64x1xi1> to vector<64x1xi1>
    %broadcast_in_dim3A_376 = vector.broadcast %broadcast_in_dim3A_375 : vector<64x1xi1> to vector<64x128xi1>
    %select_n3A_377 = arith.select %broadcast_in_dim3A_376, %add3A_370, %add3A_281 : vector<64x128xi1>, vector<64x128xf32>
    %get3A_378 = arith.constant 0 : index
    %get3A_379 = arith.constant 0 : index
    %get3A_380 = vector.load %arg30[%get3A_378, %get3A_379] : memref<128x128xf32, #tpu.memory_space<vmem>>, vector<128x128xf32>
    %dot_general3A_381 = arith.constant dense<0.000000e+00> : vector<64x128xf32>
    %dot_general3A_382 = tpu.matmul %select_n3A_377, %get3A_380, %dot_general3A_381 {dimension_numbers = #tpu.dot_dimension_numbers<[1], [1], [0], [0], [0, 0, 1, 0], [], []>, transpose_lhs_hint = false} : vector<64x128xf32>, vector<128x128xf32>, vector<64x128xf32> -> vector<64x128xf32>
    %get3A_383 = arith.constant 0 : index
    %get3A_384 = vector.load %arg31[%get3A_383] : memref<128xf32, #tpu.memory_space<vmem>>, vector<128xf32>
    %broadcast_in_dim3A_385 = vector.shape_cast %get3A_384 : vector<128xf32> to vector<1x128xf32>
    %add3A_386 = vector.broadcast %broadcast_in_dim3A_385 : vector<1x128xf32> to vector<64x128xf32>
    %add3A_387 = arith.addf %dot_general3A_382, %add3A_386 : vector<64x128xf32>
    %max3A_388 = arith.constant 0.000000e+00 : f32
    %max3A_389 = vector.broadcast %max3A_388 : f32 to vector<64x128xf32>
    %max3A_390 = arith.maximumf %add3A_387, %max3A_389 : vector<64x128xf32>
    %get3A_391 = arith.constant 0 : index
    %get3A_392 = arith.constant 0 : index
    %get3A_393 = vector.load %arg32[%get3A_391, %get3A_392] : memref<128x128xf32, #tpu.memory_space<vmem>>, vector<128x128xf32>
    %dot_general3A_394 = arith.constant dense<0.000000e+00> : vector<64x128xf32>
    %dot_general3A_395 = tpu.matmul %max3A_390, %get3A_393, %dot_general3A_394 {dimension_numbers = #tpu.dot_dimension_numbers<[1], [1], [0], [0], [0, 0, 1, 0], [], []>, transpose_lhs_hint = false} : vector<64x128xf32>, vector<128x128xf32>, vector<64x128xf32> -> vector<64x128xf32>
    %get3A_396 = arith.constant 0 : index
    %get3A_397 = vector.load %arg33[%get3A_396] : memref<128xf32, #tpu.memory_space<vmem>>, vector<128xf32>
    %broadcast_in_dim3A_398 = vector.shape_cast %get3A_397 : vector<128xf32> to vector<1x128xf32>
    %add3A_399 = vector.broadcast %broadcast_in_dim3A_398 : vector<1x128xf32> to vector<64x128xf32>
    %add3A_400 = arith.addf %dot_general3A_395, %add3A_399 : vector<64x128xf32>
    %max3A_401 = arith.constant 0.000000e+00 : f32
    %max3A_402 = vector.broadcast %max3A_401 : f32 to vector<64x128xf32>
    %max3A_403 = arith.maximumf %add3A_400, %max3A_402 : vector<64x128xf32>
    %get3A_404 = arith.constant 0 : index
    %get3A_405 = arith.constant 0 : index
    %get3A_406 = vector.load %arg34[%get3A_404, %get3A_405] : memref<64x128xf32, #tpu.memory_space<vmem>>, vector<64x128xf32>
    %dot_general3A_407 = arith.constant dense<0.000000e+00> : vector<64x64xf32>
    %dot_general3A_408 = tpu.matmul %max3A_403, %get3A_406, %dot_general3A_407 {dimension_numbers = #tpu.dot_dimension_numbers<[1], [1], [0], [0], [0, 0, 1, 0], [], []>, transpose_lhs_hint = false} : vector<64x128xf32>, vector<64x128xf32>, vector<64x64xf32> -> vector<64x64xf32>
    %get3A_409 = arith.constant 0 : index
    %get3A_410 = vector.load %arg35[%get3A_409] : memref<64xf32, #tpu.memory_space<vmem>>, vector<64xf32>
    %broadcast_in_dim3A_411 = vector.shape_cast %get3A_410 : vector<64xf32> to vector<1x64xf32>
    %add3A_412 = vector.broadcast %broadcast_in_dim3A_411 : vector<1x64xf32> to vector<64x64xf32>
    %add3A_413 = arith.addf %dot_general3A_408, %add3A_412 : vector<64x64xf32>
    %iota3A_414 = tpu.iota {dimensions = array<i32: 0>} : vector<32x64xi32>
    %iota3A_415 = tpu.iota {dimensions = array<i32: 1>} : vector<32x64xi32>
    %mul3A_416 = arith.constant 2 : i32
    %mul3A_417 = vector.broadcast %mul3A_416 : i32 to vector<32x64xi32>
    %mul3A_418 = arith.muli %mul3A_417, %iota3A_414 : vector<32x64xi32>
    %eq3A_419 = arith.cmpi eq, %iota3A_415, %mul3A_418 : vector<32x64xi32>
    %convert_element_type3A_420 = arith.extui %eq3A_419 : vector<32x64xi1> to vector<32x64xi32>
    %convert_element_type3A_421 = arith.sitofp %convert_element_type3A_420 : vector<32x64xi32> to vector<32x64xf32>
    %mul3A_422 = arith.constant 2 : i32
    %mul3A_423 = vector.broadcast %mul3A_422 : i32 to vector<32x64xi32>
    %mul3A_424 = arith.muli %mul3A_423, %iota3A_414 : vector<32x64xi32>
    %add3A_425 = arith.constant 1 : i32
    %add3A_426 = vector.broadcast %add3A_425 : i32 to vector<32x64xi32>
    %add3A_427 = arith.addi %mul3A_424, %add3A_426 : vector<32x64xi32>
    %eq3A_428 = arith.cmpi eq, %iota3A_415, %add3A_427 : vector<32x64xi32>
    %convert_element_type3A_429 = arith.extui %eq3A_428 : vector<32x64xi1> to vector<32x64xi32>
    %convert_element_type3A_430 = arith.sitofp %convert_element_type3A_429 : vector<32x64xi32> to vector<32x64xf32>
    %dot_general3A_431 = arith.constant dense<0.000000e+00> : vector<32x64xf32>
    %dot_general3A_432 = tpu.matmul %convert_element_type3A_421, %add3A_413, %dot_general3A_431 {dimension_numbers = #tpu.dot_dimension_numbers<[1], [0], [0], [1], [0, 0, 1, 1], [], []>, transpose_lhs_hint = false} : vector<32x64xf32>, vector<64x64xf32>, vector<32x64xf32> -> vector<32x64xf32>
    %dot_general3A_433 = arith.constant dense<0.000000e+00> : vector<32x64xf32>
    %dot_general3A_434 = tpu.matmul %convert_element_type3A_430, %add3A_413, %dot_general3A_433 {dimension_numbers = #tpu.dot_dimension_numbers<[1], [0], [0], [1], [0, 0, 1, 1], [], []>, transpose_lhs_hint = false} : vector<32x64xf32>, vector<64x64xf32>, vector<32x64xf32> -> vector<32x64xf32>
    %concatenate3A = tpu.concatenate %dot_general3A_432, %dot_general3A_434 in 1 : vector<32x64xf32>, vector<32x64xf32> -> vector<32x128xf32>
    %get3A_435 = arith.constant 0 : index
    %get3A_436 = arith.constant 0 : index
    %get3A_437 = vector.load %arg36[%get3A_435, %get3A_436] : memref<128x128xf32, #tpu.memory_space<vmem>>, vector<128x128xf32>
    %dot_general3A_438 = arith.constant dense<0.000000e+00> : vector<32x128xf32>
    %dot_general3A_439 = tpu.matmul %concatenate3A, %get3A_437, %dot_general3A_438 {dimension_numbers = #tpu.dot_dimension_numbers<[1], [1], [0], [0], [0, 0, 1, 0], [], []>, transpose_lhs_hint = false} : vector<32x128xf32>, vector<128x128xf32>, vector<32x128xf32> -> vector<32x128xf32>
    %get3A_440 = arith.constant 0 : index
    %get3A_441 = vector.load %arg37[%get3A_440] : memref<128xf32, #tpu.memory_space<vmem>>, vector<128xf32>
    %broadcast_in_dim3A_442 = vector.shape_cast %get3A_441 : vector<128xf32> to vector<1x128xf32>
    %add3A_443 = vector.broadcast %broadcast_in_dim3A_442 : vector<1x128xf32> to vector<32x128xf32>
    %add3A_444 = arith.addf %dot_general3A_439, %add3A_443 : vector<32x128xf32>
    %max3A_445 = arith.constant 0.000000e+00 : f32
    %max3A_446 = vector.broadcast %max3A_445 : f32 to vector<32x128xf32>
    %max3A_447 = arith.maximumf %add3A_444, %max3A_446 : vector<32x128xf32>
    %get3A_448 = arith.constant 0 : index
    %get3A_449 = arith.constant 0 : index
    %get3A_450 = vector.load %arg38[%get3A_448, %get3A_449] : memref<64x128xf32, #tpu.memory_space<vmem>>, vector<64x128xf32>
    %dot_general3A_451 = arith.constant dense<0.000000e+00> : vector<32x64xf32>
    %dot_general3A_452 = tpu.matmul %max3A_447, %get3A_450, %dot_general3A_451 {dimension_numbers = #tpu.dot_dimension_numbers<[1], [1], [0], [0], [0, 0, 1, 0], [], []>, transpose_lhs_hint = false} : vector<32x128xf32>, vector<64x128xf32>, vector<32x64xf32> -> vector<32x64xf32>
    %get3A_453 = arith.constant 0 : index
    %get3A_454 = vector.load %arg39[%get3A_453] : memref<64xf32, #tpu.memory_space<vmem>>, vector<64xf32>
    %broadcast_in_dim3A_455 = vector.shape_cast %get3A_454 : vector<64xf32> to vector<1x64xf32>
    %add3A_456 = vector.broadcast %broadcast_in_dim3A_455 : vector<1x64xf32> to vector<32x64xf32>
    %add3A_457 = arith.addf %dot_general3A_452, %add3A_456 : vector<32x64xf32>
    %max3A_458 = arith.constant 0.000000e+00 : f32
    %max3A_459 = vector.broadcast %max3A_458 : f32 to vector<32x64xf32>
    %max3A_460 = arith.maximumf %add3A_457, %max3A_459 : vector<32x64xf32>
    %get3A_461 = arith.constant 0 : index
    %get3A_462 = arith.constant 0 : index
    %get3A_463 = vector.load %arg40[%get3A_461, %get3A_462] : memref<64x1xf32, #tpu.memory_space<vmem>>, vector<64x1xf32>
    %dot_general3A_464 = arith.constant dense<0.000000e+00> : vector<32x1xf32>
    %dot_general3A_465 = tpu.matmul %max3A_460, %get3A_463, %dot_general3A_464 {dimension_numbers = #tpu.dot_dimension_numbers<[1], [0], [0], [1], [0, 0, 1, 1], [], []>, transpose_lhs_hint = false} : vector<32x64xf32>, vector<64x1xf32>, vector<32x1xf32> -> vector<32x1xf32>
    %get3A_466 = arith.constant 0 : index
    %get3A_467 = arith.constant 0 : index
    %get3A_468 = vector.load %arg41[%get3A_466, %get3A_467] : memref<1x1xf32, #tpu.memory_space<vmem>>, vector<1x1xf32>
    %add3A_469 = vector.broadcast %get3A_468 : vector<1x1xf32> to vector<32x1xf32>
    %add3A_470 = arith.addf %dot_general3A_465, %add3A_469 : vector<32x1xf32>
    %neg3A = arith.constant 0.000000e+00 : f32
    %neg3A_471 = vector.broadcast %neg3A : f32 to vector<32x1xf32>
    %neg3A_472 = arith.subf %neg3A_471, %add3A_470 : vector<32x1xf32>
    %exp3A_473 = math.exp %neg3A_472 : vector<32x1xf32>
    %add3A_474 = arith.constant 1.000000e+00 : f32
    %add3A_475 = vector.broadcast %add3A_474 : f32 to vector<32x1xf32>
    %add3A_476 = arith.addf %add3A_475, %exp3A_473 : vector<32x1xf32>
    %div3A_477 = arith.constant 1.000000e+00 : f32
    %div3A_478 = vector.broadcast %div3A_477 : f32 to vector<32x1xf32>
    %div3A_479 = arith.divf %div3A_478, %add3A_476 : vector<32x1xf32>
    %swap3A = arith.constant 0 : index
    %swap3A_480 = arith.constant 0 : index
    %swap3A_481 = vector.load %arg42[%swap3A, %swap3A_480] : memref<32x1xf32, #tpu.memory_space<vmem>>, vector<32x1xf32>
    tpu.vector_store %arg42[%swap3A, %swap3A_480], %div3A_479 {strides = array<i32>} : memref<32x1xf32, #tpu.memory_space<vmem>>, vector<32x1xf32>,
    return
  }
}

</mosaic_0001>

<sc_bundles>
// kernel: kernel.4.cloned.1.call-start
scs
__scs_entry_jumppad:
0x0: {  	(pc) =	sbr.rel $0x88, $3  }
0x1: {  	(tag) =	ssettag $0x0;
	lr =	simm.s32 $0x1  }
0x2: {  	[smem:$0x3F79] =	sst lr;
	_ =	strace $0xD0000000  }
0x3: {  	_ = 	snop  }
0x4: {  	_ = 	snop  }
0x5: {  	_ = 	snop  }
0x6: {  	_ = 	snop  }
0x7: {  	_ = 	snop  }
__scs_overlays_trampoline_lowered:
0x8: {  	[smem:$0x3F88] =	sst s0  }
0x9: {  	[smem:$0x3F89] =	sst s1  }
0xa: {  	[smem:$0x3F8A] =	sst s2  }
0xb: {  	[smem:$0x3F8B] =	sst s3  }
0xc: {  	[smem:$0x3F8C] =	sst s4  }
0xd: {  	[smem:$0x3F8D] =	sst s5  }
0xe: {  	[smem:$0x3F8E] =	sst s6  }
0xf: {  	[smem:$0x3F8F] =	sst s7  }
0x10: {  	[smem:$0x3F90] =	sst s8  }
0x11: {  	[smem:$0x3F91] =	sst s9;
	s0 =	simm.s32 @!p0 $0x0  }
0x12: {  	s1 =	sld [smem:$0x3F77];
	s0 =	simm.s32 @p0 $0x1  }
0x13: {  	[smem:$0x3F92] =	sst s0;
	s0 =	simm.s32 @!p1 $0x0  }
0x14: {  	s2 =	sld [smem:$0x3F76];
	s0 =	simm.s32 @p1 $0x1  }
0x15: {  	[smem:$0x3F93] =	sst s0;
	s0 =	simm.s32 @!p2 $0x0  }
0x16: {  	s3 =	sld [smem:$0x3FDB];
	s0 =	simm.s32 @p2 $0x1  }
0x17: {  	s4 =	simm.s32 $0x1BF5;
	[smem:$0x3F95] =	sst s0  }
0x18: {  	s0 =	sld [smem:$0x3F78];
	_ =	swait.ge [sflag:s4], $0x0  }
0x19: {  	s7 =	sld [smem:$0x3F79]  }
0x1a: {  	s8 =	sadd.s32 $0xFFFFE003, lr  }
0x1b: {  	s9 =	sadd.s32 $0xFFFFFEF7, lr;
	s5 =	simm.s32 $0xFFFFFFFF;
	p2 =	slt.u32 s8, $0xFFFFF086  }
0x1c: {  	p1 =	slt.u32 s9, $0xF7A;
	s5 =	simm.s32 @!p2 $0x0  }
0x1d: {  	s5 =	simm.s32 @p1 $0x1;
	p0 =	seq.s32 s7, s2  }
0x1e: {  	s7 =	smul.u32 @!p0 $0xF7A, s2;
	p2 =	seq.s32 @!p0 s5, $0x0  }
0x1f: {  	s9 =	smul.u32 $0xF7A, s1;
	s8 =	simm.s32 @!p0 $0x1BF5;
	p2 =	por !p2, p0  }
0x20: {  	[sflag:s8] =	ssyncset.s32 @!p0 $0xFFFFF086;
	s6 =	sadd.s32 @!p0 s3, s7;
	s7 =	simm.s32 @!p0 $0x108  }
0x21: {  	s3 =	sadd.s32 s3, s9;
	s6 =	sadd.s32 @!p0 $0x88, s6;
	s7 =	simm.s32 @p2 $0x1082  }
0x22: {  	[simem:s7], [sflag:s8] =	dma.local @!p0 [hbm:s6], $0xF7A  }
0x23: {  	s9 =	sor.u32 $0xD0000000, s2;
	s6 =	simm.s32 $0x108;
	_ =	swait.ge @!p0 [sflag:s8], $0x0  }
0x24: {  	s3 =	sadd.s32 $0x88, s3;
	s6 =	simm.s32 @!p1 $0x1082;
	[sflag:s4] =	ssyncset.s32 $0xFFFFF086  }
0x25: {  	[simem:s6], [sflag:s4] =	dma.local [hbm:s3], $0xF7A  }
0x26: {  	[smem:$0x3F79] =	sst s1;
	(tag) =	ssettag s2;
	_ =	strace s9  }
0x27: {  	s1 =	sld [smem:$0x3F89]  }
0x28: {  	s2 =	sld [smem:$0x3F8A]  }
0x29: {  	s4 =	sld [smem:$0x3F8C]  }
0x2a: {  	p0 =	seq.s32 s5, $0x0;
	s5 =	sld [smem:$0x3F8D]  }
0x2b: {  	s6 =	sld [smem:$0x3F8E]  }
0x2c: {  	s7 =	sld [smem:$0x3F8F]  }
0x2d: {  	s3 =	simm.s32 $0x108;
	s8 =	sld [smem:$0x3F90]  }
0x2e: {  	s3 =	simm.s32 @!p0 $0x1082;
	s9 =	sld [smem:$0x3F91]  }
0x2f: {  	lr =	sadd.s32 s0, s3;
	s0 =	sld [smem:$0x3F88]  }
0x30: {  	s3 =	sld [smem:$0x3F8B]  }
0x31: {  	[smem:$0x3F94] =	sst s10  }
0x32: {  	s10 =	sld [smem:$0x3F92];
	_ =	sdelay $0x3  }
0x33: {  	p0 =	seq.s32 s10, $0x1;
	s10 =	sld [smem:$0x3F94];
	_ =	sdelay $0x3  }
0x34: {  	[smem:$0x3F94] =	sst s10  }
0x35: {  	s10 =	sld [smem:$0x3F93];
	_ =	sdelay $0x3  }
0x36: {  	p1 =	seq.s32 s10, $0x1;
	s10 =	sld [smem:$0x3F94];
	_ =	sdelay $0x3  }
0x37: {  	[smem:$0x3F94] =	sst s10  }
0x38: {  	s10 =	sld [smem:$0x3F95]  }
0x39: {  	_ = 	snop;
	(pc) =	sbr.ind lr, $3  }
0x3a: {  	_ = 	snop  }
0x3b: {  	_ = 	snop  }
0x3c: {  	p2 =	seq.s32 s10, $0x1;
	s10 =	sld [smem:$0x3F94]  }
0x3d: {  	_ =	shalt  }
0x3e: {  	_ =	shalt  }
0x3f: {  	_ =	shalt  }
0x40: {  	_ =	shalt  }
0x41: {  	_ =	shalt  }
0x42: {  	_ =	shalt  }
0x43: {  	_ =	shalt  }
0x44: {  	_ =	shalt  }
0x45: {  	_ =	shalt  }
0x46: {  	_ =	shalt  }
0x47: {  	_ =	shalt  }
0x48: {  	_ =	shalt  }
0x49: {  	_ =	shalt  }
0x4a: {  	_ =	shalt  }
0x4b: {  	_ =	shalt  }
0x4c: {  	_ =	shalt  }
0x4d: {  	_ =	shalt  }
0x4e: {  	_ =	shalt  }
0x4f: {  	_ =	shalt  }
0x50: {  	_ =	shalt  }
0x51: {  	_ =	shalt  }
0x52: {  	_ =	shalt  }
0x53: {  	_ =	shalt  }
0x54: {  	_ =	shalt  }
0x55: {  	_ =	shalt  }
0x56: {  	_ =	shalt  }
0x57: {  	_ =	shalt  }
0x58: {  	_ =	shalt  }
0x59: {  	_ =	shalt  }
0x5a: {  	_ =	shalt  }
0x5b: {  	_ =	shalt  }
0x5c: {  	_ =	shalt  }
0x5d: {  	_ =	shalt  }
0x5e: {  	_ =	shalt  }
0x5f: {  	_ =	shalt  }
0x60: {  	_ =	shalt  }
0x61: {  	_ =	shalt  }
0x62: {  	_ =	shalt  }
0x63: {  	_ =	shalt  }
0x64: {  	_ =	shalt  }
0x65: {  	_ =	shalt  }
0x66: {  	_ =	shalt  }
0x67: {  	_ =	shalt  }
0x68: {  	_ =	shalt  }
0x69: {  	_ =	shalt  }
0x6a: {  	_ =	shalt  }
0x6b: {  	_ =	shalt  }
0x6c: {  	_ =	shalt  }
0x6d: {  	_ =	shalt  }
0x6e: {  	_ =	shalt  }
0x6f: {  	_ =	shalt  }
0x70: {  	_ =	shalt  }
0x71: {  	_ =	shalt  }
0x72: {  	_ =	shalt  }
0x73: {  	_ =	shalt  }
0x74: {  	_ =	shalt  }
0x75: {  	_ =	shalt  }
0x76: {  	_ =	shalt  }
0x77: {  	_ =	shalt  }
0x78: {  	_ =	shalt  }
0x79: {  	_ =	shalt  }
0x7a: {  	_ =	shalt  }
0x7b: {  	_ =	shalt  }
0x7c: {  	_ =	shalt  }
0x7d: {  	_ =	shalt  }
0x7e: {  	_ =	shalt  }
0x7f: {  	_ =	shalt  }
0x80: {  	_ =	shalt  }
0x81: {  	_ =	shalt  }
0x82: {  	_ =	shalt  }
0x83: {  	_ =	shalt  }
0x84: {  	_ =	shalt  }
0x85: {  	_ =	shalt  }
0x86: {  	_ =	shalt  }
0x87: {  	_ =	shalt  }
.Lfunc_end0:
.L_simem_size_0:
called_computation_lowered:
.L_overlay_start_0:
0x88: {  	s2 =	sld [smem:$0x3FD9]  }
0x89: {  	s3 =	sld [smem:$0x3FFE];
	_ =	sdelay $0x1  }
0x8a: {  	s1 =	srdreg.scid  }
0x8b: {  	s0 =	sand.u32 $0x1, s1  }
0x8c: {  	s17 =	sshll.u32 s0, $0xA;
	s2 =	sadd.s32 s3, s2  }
0x8d: {  	s2 =	sadd.s32 s2, s17  }
0x8e: {  	[smem:$0x3FA0] =	sst s2  }
0x8f: {  	_ = 	snop  }
0x90: {  	s2 =	sld [smem:$0x3FC9]  }
0x91: {  	s18 =	sld [smem:$0x3FC7]  }
0x92: {  	s4 =	sld [smem:$0x3FD0];
	(tm) =	ssettm $0x1  }
0x93: {  	s5 =	sld [smem:$0x3FFB];
	_ =	sdelay $0x3  }
0x94: {  	_ =	strace s5  }
0x95: {  	s5 =	sld [smem:$0x3FFC];
	_ =	sdelay $0x3  }
0x96: {  	_ =	strace s5  }
0x97: {  	s5 =	sld [smem:$0x3FFD];
	_ =	sdelay $0x3  }
0x98: {  	_ =	strace s5  }
0x99: {  	_ =	strace $0x8FFFFFFF  }
0x9a: {  	s19 =	sld [smem:$0x3FDB];
	_ =	sdelay $0x1  }
0x9b: {  	s6 =	simm.s32 $_scs_section_size  }
0x9c: {  	s7 =	simm.s32 $_size__tile_overlayer_lowered;
	s8 =	simm.s32 $_tile_overlayer_lowered  }
0x9d: {  	s22 =	simm.s32 $0x1BFF;
	s21 =	sshll.u32 s8, $0x1;
	s5 =	sadd.s32 s6, s19  }
0x9e: {  	s9 =	simm.s32 $0x0;
	s20 =	sshll.u32 s7, $0x1;
	s7 =	sadd.s32 s21, s5  }
0x9f: {  	[timem:s9], [sflag:s22] =	dma.local [hbm:s7], s20  }
0xa0: {  	_ =	swait.ge [sflag:s22], s20  }
0xa1: {  	s6 =	ssub.s32 $0x0, s20;
	[sflag:s22] =	ssyncset.done $0x0  }
0xa2: {  	[sflag:s22] =	ssyncadd.s32 s6;
	_ =	sdelay $0x1  }
0xa3: {  	s23 =	simm.s32 $0x1B8B  }
0xa4: {  	_ =	swait.ge [sflag:s23], $0x1  }
0xa5: {  	[sflag:s23] =	ssyncset.done $0x0  }
0xa6: {  	s25 =	simm.s32 $0x1B8E;
	s24 =	sld [smem:$0x3FFE];
	[sflag:s23] =	ssyncadd.s32 $0xFFFFFFFF  }
0xa7: {  	s26 =	simm.s32 $execute0_lowered;
	[smem:$0x3FD2] =	sst s25  }
0xa8: {  	s7 =	sshll.u32 s26, $0x1;
	_ =	strace $0x80000046;
	[dreg:$0x1] =	wrdreg $0xFFFFFFFF  }
0xa9: {  	s28 =	simm.s32 $_size_execute0_lowered;
	s5 =	sadd.s32 s5, s7;
	[dreg:$0x0] =	wrdreg $0x0  }
0xaa: {  	s7 =	sshll.u32 s28, $0x1;
	[dreg:$0x2] =	wrdreg s5  }
0xab: {  	[dreg:$0x3] =	wrdreg s7  }
0xac: {  	[dreg:$0x4] =	wrdreg $0xC0  }
0xad: {  	_ =	task [dreg:s9], $0x5FFFF  }
0xae: {  	[dreg:$0x1] =	wrdreg $0xFFFFFFFF  }
0xaf: {  	[dreg:$0x0] =	wrdreg $0x60  }
0xb0: {  	[dreg:$0x2] =	wrdreg s24  }
0xb1: {  	[dreg:$0x3] =	wrdreg s18  }
0xb2: {  	[dreg:$0x4] =	wrdreg s4  }
0xb3: {  	[dreg:$0x5] =	wrdreg s2  }
0xb4: {  	[dreg:$0x6] =	wrdreg $0x9  }
0xb5: {  	_ =	task.clear_ibuf [dreg:s9], $0x7FFFF;
	_ =	strace $0x90000046  }
0xb6: {  	s29 =	simm.s32 $0x9;
	_ =	strace $0x80000048  }
0xb7: {  	_ =	swait.ge [sflag:s29], $0x1  }
0xb8: {  	[sflag:s29] =	ssyncadd.s32 $0xFFFFFFFF  }
0xb9: {  	_ =	strace $0x90000048  }
0xba: {  	_ =	sfence  }
0xbb: {  	s30 =	sld [smem:$0x0];
	_ =	sdelay $0x2  }
0xbc: {  	s31 =	sshll.u32 s1, $0xD;
	s1 =	sshrl.u32 s1, $0x2  }
0xbd: {  	s3 =	sand.u32 $0x4000, s31;
	s1 =	sadd.s32 s1, s30  }
0xbe: {  	s0 =	sor.u32 s3, s0;
	s1 =	sshll.u32 s1, $0x11  }
0xbf: {  	s0 =	sor.u32 s1, s0  }
0xc0: {  	s0 =	sadd.s32 $0x8F2B, s0  }
0xc1: {  	[sflag:s0] =	ssyncadd.remote.s32 $0x1  }
0xc2: {  	_ =	sfence.sel $0xFFFF  }
0xc3: {  	[dreg:$0x0] =	wrdreg $0xFFFFFFFF;
	(pc) =	sbr.abs _section_cstart, $3  }
0xc4: {  	[dreg:$0x1] =	wrdreg $0xFFFFFFFF  }
0xc5: {  	_ =	task.clear_ibuf [dreg:s9], $0x2FFFF;
	_ =	strace $0x9FFFFFFF  }
0xc6: {  	(tm) =	ssettm $0x7FFFFFFF  }
0xc7: {  	_ =	shalt  }
tec
execute0_lowered:
.L_overlay_start_1:
0x0: {  	(tag) =	ssettag $0x1  }
0x1: {  	s0 =	rddreg [dreg:$0x0];
	s1 =	srdreg.scid  }
0x2: {  	s3 =	stileid.u32;
	s2 =	rddreg [dreg:$0x1];
	s4 =	simm.s32 $0x0  }
0x3: {  	s16 =	simm.s32 $0x3C80;
	s17 =	simm.s32 $0x5080;
	s18 =	simm.s32 $0x6480  }
0x4: {  	s19 =	simm.s32 $0x1;
	s20 =	simm.s32 $0x2;
	s22 =	simm.s32 $0x6580  }
0x5: {  	s23 =	simm.s32 $0x6680;
	s24 =	simm.s32 $0x6500;
	s25 =	simm.s32 $0x6600  }
0x6: {  	s26 =	simm.s32 $0x3;
	s1 =	sand.u32 $0x1, s1;
	s3 =	sshll.u32 s3, $0x1  }
0x7: {  	s28 =	simm.s32 $0x0;
	[smem:$0x7FF] =	sst s4;
	s21 =	sor.u32 s1, s3  }
0x8: {  	s3 =	rddreg [dreg:$0x3];
	_ =	strace $0x80000047;
	s1 =	ssub.s32 $0x2, s1  }
0x9: {  	s5 =	smul.u32 $0x1388, s21;
	s6 =	sshll.u32 s21, $0x4;
	s7 =	sshll.u32 s21, $0xB  }
0xa: {  	v0 =	vlaneseq.u32;
	s30 =	sshrl.u32 s1, $0x1;
	p0 =	sne.s32 s21, $0x0;
	s21 =	simm.s32 $0x80  }
0xb: {  	v0 =	vmul.u32 $0x10, v0;
	s12 =	sadd.s32 s6, s0;
	s13 =	sadd.s32 s7, s0;
	s6 =	sadd.s32 $0x20000, s0  }
0xc: {  	v1 =	vimm.s32 $0xFFFFFFFF;
	v2 =	vimm.f32 $0.0e+00;
	s31 =	ssub.s32 s1, s30;
	s9 =	sshrl.u32 s5, $0x3;
	s5 =	sadd.s32 $0xF400, s0  }
0xd: {  	v10 =	vimm.s32 $0x1;
	vm0 =	vmmov $0xff;
	v3 =	vor.u32 $0x1, v0;
	s10 =	sadd.s32 $0xFA00, s12;
	s11 =	sadd.s32 $0xFC00, s12;
	s12 =	sadd.s32 $0xFE00, s12  }
0xe: {  	v4 =	vor.u32 $0x2, v0;
	v5 =	vor.u32 $0x3, v0;
	v6 =	vor.u32 $0x4, v0;
	s13 =	sadd.s32 $0x10000, s13;
	s14 =	smax.u32 s31, $0x1;
	s8 =	sadd.s32 s9, s0  }
0xf: {  	v7 =	vor.u32 $0x5, v0;
	v8 =	vor.u32 $0x6, v0;
	v9 =	vor.u32 $0x7, v0;
	s9 =	sadd.s32 s2, s9;
	s7 =	sadd.s32 $0x5600, s8;
	s8 =	sadd.s32 $0xA420, s8  }
.LBB2_1:
0x10: {  	s0 =	simm.s32 $0x2880  }
0x11: {  	[tilespmem:s0], [sflag:$0x1] =	stream.linear.gather [hbm4b:s7+s4], $0x1388, $0x38;
	[tilespmem:$0xC680] =	vst v63  }
0x12: {  	_ = 	snop  }
0x13: {  	[tilespmem:s16], [sflag:$0x1] =	stream.linear.gather [hbm4b:s8+s4], $0x1388, $0x38;
	[tilespmem:$0xC680] =	vst v63  }
0x14: {  	_ = 	snop  }
0x15: {  	[tilespmem:s17], [sflag:$0x1] =	stream.linear.gather [hbm4b:s9+s4], $0x1388, $0x38;
	[tilespmem:$0xC680] =	vst v63  }
0x16: {  	s2 =	rddreg [dreg:$0x2]  }
0x17: {  	[tilespmem:s18], [sflag:$0x1] =	stream.linear.gather [hbm4b:s2+s4], $0x80, $0x38;
	[tilespmem:$0xC680] =	vst v63  }
0x18: {  	_ = 	snop  }
0x19: {  	[tilespmem:s4], [sflag:$0x2] =	stream.linear.gather [hbm4b:s5+s4], $0x2880, $0x38;
	[tilespmem:$0xC680] =	vst v63  }
0x1a: {  	[tilespmem:$0x6500] =	vst v1  }
0x1b: {  	[tilespmem:$0x6580] =	vst v0  }
0x1c: {  	[tilespmem:$0x6600] =	vst v2  }
0x1d: {  	[tilespmem:$0x6510] =	vst v1  }
0x1e: {  	[tilespmem:$0x6590] =	vst v3  }
0x1f: {  	[tilespmem:$0x6610] =	vst v2  }
0x20: {  	[tilespmem:$0x6520] =	vst v1  }
0x21: {  	[tilespmem:$0x65A0] =	vst v4  }
0x22: {  	[tilespmem:$0x6620] =	vst v2  }
0x23: {  	[tilespmem:$0x6530] =	vst v1  }
0x24: {  	[tilespmem:$0x65B0] =	vst v5  }
0x25: {  	[tilespmem:$0x6630] =	vst v2  }
0x26: {  	[tilespmem:$0x6540] =	vst v1  }
0x27: {  	[tilespmem:$0x65C0] =	vst v6  }
0x28: {  	[tilespmem:$0x6640] =	vst v2  }
0x29: {  	[tilespmem:$0x6550] =	vst v1  }
0x2a: {  	[tilespmem:$0x65D0] =	vst v7  }
0x2b: {  	[tilespmem:$0x6650] =	vst v2  }
0x2c: {  	[tilespmem:$0x6560] =	vst v1  }
0x2d: {  	[tilespmem:$0x65E0] =	vst v8  }
0x2e: {  	[tilespmem:$0x6660] =	vst v2  }
0x2f: {  	[tilespmem:$0x6570] =	vst v1  }
0x30: {  	[tilespmem:$0x65F0] =	vst v9  }
0x31: {  	[tilespmem:$0x6670] =	vst v2  }
0x32: {  	_ =	swait.ge [sflag:s19], $0x1388  }
0x33: {  	[sflag:s19] =	ssyncset.done $0x0  }
0x34: {  	[sflag:s19] =	ssyncadd.s32 $0xFFFFEC78  }
0x35: {  	_ =	swait.ge [sflag:s19], $0x1388  }
0x36: {  	[sflag:s19] =	ssyncset.done $0x0  }
0x37: {  	[sflag:s19] =	ssyncadd.s32 $0xFFFFEC78  }
0x38: {  	_ =	swait.ge [sflag:s19], $0x1388  }
0x39: {  	[sflag:s19] =	ssyncset.done $0x0  }
0x3a: {  	[sflag:s19] =	ssyncadd.s32 $0xFFFFEC78  }
0x3b: {  	_ =	swait.ge [sflag:s19], $0x80  }
0x3c: {  	[sflag:s19] =	ssyncset.done $0x0  }
0x3d: {  	[sflag:s19] =	ssyncadd.s32 $0xFFFFFF80  }
0x3e: {  	_ =	swait.ge [sflag:s20], $0x2880  }
0x3f: {  	[sflag:s20] =	ssyncset.done $0x0  }
0x40: {  	[sflag:s20] =	ssyncadd.s32 $0xFFFFD780  }
0x41: {  	v11 =	vld [tilespmem:$0x6480];
	_ =	sdelay $0x7  }
0x42: {  	[tilespmem:v11+s4+$0x0] =	vst.idx.msk $0xffff, v10  }
0x43: {  	v11 =	vld [tilespmem:$0x6490];
	_ =	sdelay $0x7  }
0x44: {  	[tilespmem:v11+s4+$0x0] =	vst.idx.msk $0xffff, v10  }
0x45: {  	v11 =	vld [tilespmem:$0x64A0];
	_ =	sdelay $0x7  }
0x46: {  	[tilespmem:v11+s4+$0x0] =	vst.idx.msk $0xffff, v10  }
0x47: {  	v11 =	vld [tilespmem:$0x64B0];
	_ =	sdelay $0x7  }
0x48: {  	s15 =	simm.s32 $0x0;
	[tilespmem:v11+s4+$0x0] =	vst.idx.msk $0xffff, v10  }
0x49: {  	v12 =	vld [tilespmem:s15+$0x2880];
	_ =	sdelay $0x3  }
0x4a: {  	v13 =	vld [tilespmem:s15+$0x3C80];
	_ =	sdelay $0x3  }
0x4b: {  	v11 =	vld.idx.msk [tilespmem:v12+s4+$0x0], $0xffff;
	_ =	sdelay $0x3  }
0x4c: {  	v14 =	vld.idx.msk [tilespmem:v13+s4+$0x0], $0xffff  }
0x4d: {  	vm2 =	vgt.s32 v11, $0x0  }
0x4e: {  	v11 =	vmpcnt.ones.xlane vm2;
	_ =	sdelay $0x1  }
0x4f: {  	(v2sf) =	vpush v11, $0x0  }
0x50: {  	vm1 =	vne.s32 v12, v13;
	vm3 =	vgt.s32 v14, $0x0  }
0x51: {  	vm1 =	vmand vm1, vm3  }
0x52: {  	v11 =	vmpcnt.ones.xlane vm1;
	_ =	sdelay $0x1  }
0x53: {  	(v2sf) =	vpush v11, $0x0;
	_ =	sdelay $0x7  }
0x54: {  	v11 =	vld [tilespmem:s15+$0x5080]  }
0x55: {  	p1 =	por $0x1, $0x1;
	s0 =	simm.s32 $0x0  }
0x56: {  	s0 =	simm.s32 @!p1 $0x70;
	s1 =	spop (v2sf)  }
0x57: {  	[tilespmem:s0+$0x6500] =	vst.msk vm2, v12;
	s1 =	sadd.s32 $0x0, s1  }
0x58: {  	[tilespmem:s0+$0x6580] =	vst.msk vm2, v13;
	p1 =	slt.s32 s1, $0x70;
	s31 =	smov.u32 s1  }
0x59: {  	[tilespmem:s0+$0x6600] =	vst.msk vm2, v11;
	s31 =	simm.s32 @!p1 $0x70  }
0x5a: {  	[tilespmem:s31+$0x6500] =	vst.msk vm1, v13  }
0x5b: {  	s29 =	simm.s32 $0x40;
	s30 =	simm.s32 $0x80;
	s0 =	spop (v2sf);
	[tilespmem:s31+$0x6580] =	vst.msk vm1, v12  }
.LBB2_2:
0x5c: {  	s15 =	sshra.s32 s29, $0x2  }
0x5d: {  	[tilespmem:s31+$0x6600] =	vst.msk vm1, v11;
	s0 =	sadd.s32 s1, s0;
	s29 =	smov.u32 s30;
	s2 =	sadd.s32 $0x40, s30  }
0x5e: {  	p1 =	sne.s32 s30, $0x4DC0;
	v12 =	vld [tilespmem:s15+$0x2880];
	p2 =	slt.s32 s0, $0x70;
	_ =	sdelay $0x3  }
0x5f: {  	v13 =	vld [tilespmem:s15+$0x3C80];
	_ =	sdelay $0x3  }
0x60: {  	v14 =	vld.idx.msk [tilespmem:v12+s4+$0x0], $0xffff  }
0x61: {  	vm1 =	vne.s32 v12, v13;
	_ =	sdelay $0x2  }
0x62: {  	v15 =	vld.idx.msk [tilespmem:v13+s4+$0x0], $0xffff  }
0x63: {  	s1 =	smov.u32 s0  }
0x64: {  	s1 =	simm.s32 @!p2 $0x70;
	vm2 =	vgt.s32 v14, $0x0;
	v11 =	vld [tilespmem:s15+$0x5080]  }
0x65: {  	v14 =	vmpcnt.ones.xlane vm2;
	[tilespmem:s1+$0x6500] =	vst.msk vm2, v12  }
0x66: {  	[tilespmem:s1+$0x6580] =	vst.msk vm2, v13  }
0x67: {  	(v2sf) =	vpush v14, $0x0  }
0x68: {  	vm3 =	vgt.s32 v15, $0x0  }
0x69: {  	vm1 =	vmand vm1, vm3;
	[tilespmem:s1+$0x6600] =	vst.msk vm2, v11  }
0x6a: {  	v14 =	vmpcnt.ones.xlane vm1;
	_ =	sdelay $0x1  }
0x6b: {  	(v2sf) =	vpush v14, $0x0;
	_ =	sdelay $0x9  }
0x6c: {  	s1 =	spop (v2sf)  }
.Ltmp0:
0x6d: {  	s1 =	sadd.s32 s0, s1;
	(pc) =	sbr.rel @p1 .LBB2_2-.Ltmp0, $4  }
0x6e: {  	p2 =	slt.s32 s1, $0x70;
	s31 =	smov.u32 s1  }
0x6f: {  	s31 =	simm.s32 @!p2 $0x70  }
0x70: {  	[tilespmem:s31+$0x6500] =	vst.msk vm1, v13  }
0x71: {  	s30 =	smov.u32 s2;
	[tilespmem:s31+$0x6580] =	vst.msk vm1, v12;
	s0 =	spop (v2sf)  }
0x72: {  	s2 =	sshra.s32 s29, $0x2;
	[tilespmem:s31+$0x6600] =	vst.msk vm1, v11  }
0x73: {  	v11 =	vld [tilespmem:s2+$0x2880];
	_ =	sdelay $0x7  }
0x74: {  	v12 =	vld.idx.msk [tilespmem:v11+s4+$0x0], $0xffff;
	_ =	sdelay $0x4  }
0x75: {  	vm1 =	vgt.s32 v12, $0x0  }
0x76: {  	v12 =	vmpcnt.ones.xlane vm1;
	_ =	sdelay $0x1  }
0x77: {  	(v2sf) =	vpush v12, $0x0;
	_ =	sdelay $0x3  }
0x78: {  	v60 =	vld [tilespmem:s2+$0x3C80];
	_ =	sdelay $0x7  }
0x79: {  	v13 =	vld.idx.msk [tilespmem:v60+s4+$0x0], $0xffff  }
0x7a: {  	s0 =	sadd.s32 s1, s0;
	v14 =	vld [tilespmem:s2+$0x5080]  }
0x7b: {  	p1 =	slt.s32 s0, $0x70;
	s1 =	smov.u32 s0  }
0x7c: {  	s1 =	simm.s32 @!p1 $0x70;
	s29 =	spop (v2sf)  }
0x7d: {  	[tilespmem:s1+$0x6500] =	vst.msk vm1, v11;
	s0 =	sadd.s32 s0, s29  }
0x7e: {  	vm2 =	vne.s32 v11, v60;
	vm3 =	vgt.s32 v13, $0x0;
	[tilespmem:s1+$0x6580] =	vst.msk vm1, v60;
	p1 =	slt.s32 s0, $0x70;
	s2 =	smov.u32 s0  }
0x7f: {  	vm2 =	vmand vm2, vm3;
	[tilespmem:s1+$0x6600] =	vst.msk vm1, v14;
	s2 =	simm.s32 @!p1 $0x70  }
0x80: {  	[tilespmem:s2+$0x6500] =	vst.msk vm2, v60  }
0x81: {  	[tilespmem:s2+$0x6580] =	vst.msk vm2, v11  }
0x82: {  	[tilespmem:s2+$0x6600] =	vst.msk vm2, v14  }
0x83: {  	v11 =	vld [tilespmem:$0x3C00];
	_ =	sdelay $0x4  }
0x84: {  	v11 =	vnsel vm0, $0x2710, v11;
	_ =	sdelay $0x4  }
0x85: {  	v12 =	vld.idx.msk [tilespmem:v11+s4+$0x0], $0xffff;
	_ =	sdelay $0x2  }
0x86: {  	v61 =	vmpcnt.ones.xlane vm2;
	_ =	sdelay $0x1  }
0x87: {  	(v2sf) =	vpush v61, $0x0;
	vm1 =	vgt.s32 v12, $0x0  }
0x88: {  	v12 =	vmpcnt.ones.xlane vm1;
	_ =	sdelay $0x1  }
0x89: {  	(v2sf) =	vpush v12, $0x0;
	_ =	sdelay $0x1  }
0x8a: {  	v62 =	vld [tilespmem:$0x5000];
	_ =	sdelay $0x4  }
0x8b: {  	v12 =	vnsel vm0, $0x2710, v62;
	_ =	sdelay $0x3  }
0x8c: {  	v63 =	vld [tilespmem:$0x6400]  }
0x8d: {  	s30 =	spop (v2sf);
	v14 =	vld.idx.msk [tilespmem:v12+s4+$0x0], $0xffff  }
0x8e: {  	s0 =	sadd.s32 s0, s30  }
0x8f: {  	p1 =	slt.s32 s0, $0x70;
	s1 =	smov.u32 s0  }
0x90: {  	s1 =	simm.s32 @!p1 $0x70;
	s31 =	spop (v2sf)  }
0x91: {  	[tilespmem:s1+$0x6500] =	vst.msk vm1, v11;
	s0 =	sadd.s32 s0, s31  }
0x92: {  	v13 =	vnsel vm0, $0x0, v63;
	vm3 =	vne.s32 v11, v12;
	[tilespmem:s1+$0x6580] =	vst.msk vm1, v12;
	vm2 =	vgt.s32 v14, $0x0;
	p1 =	slt.s32 s0, $0x70  }
0x93: {  	[tilespmem:s1+$0x6600] =	vst.msk vm1, v13;
	vm2 =	vmand vm3, vm2;
	s0 =	simm.s32 @!p1 $0x70  }
0x94: {  	[tilespmem:s0+$0x6500] =	vst.msk vm2, v12  }
0x95: {  	[tilespmem:s0+$0x6580] =	vst.msk vm2, v11  }
0x96: {  	[tilespmem:s0+$0x6600] =	vst.msk vm2, v13  }
0x97: {  	[tilespmem:s23], [sflag:$0x1] =	stream.indirect.gather [hbm4b:s3+s21], $0x80, s22, s21, $0xb8;
	[tilespmem:$0xC680] =	vst v63  }
0x98: {  	_ = 	snop  }
0x99: {  	[hbm4b:s10+s4] =	stream.linear.scatter [tilespmem:s24], [sflag:$0x2], $0x80, $0x38;
	[tilespmem:$0xC680] =	vst v63  }
0x9a: {  	_ = 	snop  }
0x9b: {  	[hbm4b:s11+s4] =	stream.linear.scatter [tilespmem:s22], [sflag:$0x2], $0x80, $0x38;
	[tilespmem:$0xC680] =	vst v63  }
0x9c: {  	_ = 	snop  }
0x9d: {  	[hbm4b:s12+s4] =	stream.linear.scatter [tilespmem:s25], [sflag:$0x2], $0x80, $0x38;
	[tilespmem:$0xC680] =	vst v63  }
0x9e: {  	_ =	swait.ge [sflag:s19], $0x4000  }
0x9f: {  	[sflag:s19] =	ssyncset.done $0x0  }
0xa0: {  	[sflag:s19] =	ssyncadd.s32 $0xFFFFC000  }
0xa1: {  	[hbm4b:s13+s4] =	stream.linear.scatter [tilespmem:s23], [sflag:$0x3], $0x4000, $0x38;
	[tilespmem:$0xC680] =	vst v63  }
0xa2: {  	_ =	swait.ge [sflag:s26], $0x4000  }
0xa3: {  	[sflag:s26] =	ssyncset.done $0x0  }
0xa4: {  	[sflag:s26] =	ssyncadd.s32 $0xFFFFC000  }
0xa5: {  	_ =	swait.ge [sflag:s20], $0x80  }
0xa6: {  	[sflag:s20] =	ssyncset.done $0x0  }
0xa7: {  	[sflag:s20] =	ssyncadd.s32 $0xFFFFFF80  }
0xa8: {  	_ =	swait.ge [sflag:s20], $0x80  }
0xa9: {  	[sflag:s20] =	ssyncset.done $0x0  }
0xaa: {  	[sflag:s20] =	ssyncadd.s32 $0xFFFFFF80  }
0xab: {  	_ =	swait.ge [sflag:s20], $0x80  }
0xac: {  	s2 =	simm.s32 @!p0 $0xA680;
	[sflag:s20] =	ssyncset.done $0x0  }
0xad: {  	s1 =	simm.s32 @!p0 $0x6480;
	s0 =	simm.s32 @!p0 $0x40;
	[sflag:s20] =	ssyncadd.s32 $0xFFFFFF80  }
0xae: {  	[tilespmem:s2], [sflag:$0x1] =	stream.indirect.gather @!p0 [hbm4b:s3+s0], $0x80, s1, s0, $0xb8;
	[tilespmem:$0xC680] =	vst v63  }
0xaf: {  	s0 =	simm.s32 @!p0 $0x1  }
0xb0: {  	_ =	swait.ge @!p0 [sflag:s0], $0x2000  }
0xb1: {  	s28 =	sadd.s32 $0x1, s28;
	[sflag:s0] =	ssyncset.done @!p0 $0x0  }
0xb2: {  	p1 =	sne.s32 s28, s14;
	[sflag:s0] =	ssyncadd.s32 @!p0 $0xFFFFE000;
	s0 =	simm.s32 @!p0 $0x0  }
0xb3: {  	[hbm4b:s6+s0] =	stream.linear.scatter @!p0 [tilespmem:s2], [sflag:$0x3], $0x2000, $0x38;
	[tilespmem:$0xC680] =	vst v63  }
.Ltmp1:
0xb4: {  	_ = 	snop;
	(pc) =	sbr.rel @p1 .LBB2_1-.Ltmp1, $4  }
0xb5: {  	s0 =	simm.s32 @!p0 $0x3  }
0xb6: {  	_ =	swait.ge @!p0 [sflag:s0], $0x2000  }
0xb7: {  	[sflag:s0] =	ssyncset.done @!p0 $0x0  }
0xb8: {  	[sflag:s0] =	ssyncadd.s32 @!p0 $0xFFFFE000  }
0xb9: {  	_ =	sfence.sel $0x180000  }
0xba: {  	[bflag:$0x0] =	sbarrier.arrive $0xFFFF  }
0xbb: {  	_ =	strace $0x90000047  }
0xbc: {  	s0 =	stileid.u32;
	[bflag:$0x2] =	sbarrier.arrive $0xFFFF  }
0xbd: {  	p0 =	sne.s32 s0, $0x0;
	s0 =	rddreg [dreg:$0x4]  }
0xbe: {  	s0 =	sadd.s32 @!p0 $0x100000, s0  }
0xbf: {  	[sflag:s0] =	ssyncadd.tile.s32 @!p0 $0x1;
	_ =	shalt  }
.Lfunc_end2:
_tile_overlayer_lowered:
.L_overlay_start_2:
0xc0: {  	(tag) =	ssettag $0x2  }
0xc1: {  	s0 =	rddreg [dreg:$0x0];
	s2 =	stileid.u32  }
0xc2: {  	s1 =	rddreg [dreg:$0x1];
	p0 =	sne.s32 s2, $0x0  }
0xc3: {  	s3 =	rddreg [dreg:$0x2];
	[bflag:$0x3] =	sbarrier.arrive $0xFFFF;
	s2 =	simm.s32 @!p0 $0x1C03  }
0xc4: {  	[timem:s3], [sflag:s2] =	dma.local @!p0 [hbm:s0], s1  }
0xc5: {  	s0 =	simm.s32 @!p0 $0x3  }
0xc6: {  	_ =	swait.ge @!p0 [sflag:s0], s1  }
0xc7: {  	s1 =	ssub.s32 @!p0 $0x0, s1;
	[sflag:s0] =	ssyncset.done @!p0 $0x0  }
0xc8: {  	[sflag:s0] =	ssyncadd.s32 @!p0 s1  }
0xc9: {  	[bflag:$0x3] =	sbarrier.arrive $0xFFFF  }
0xca: {  	_ =	shalt  }

</sc_bundles>
